<compile_context>
chip_gen: v7x
topology: tpu7x:2x2x1
jax: 0.10.2.dev20260603
libtpu: 0.0.44.dev20260713+nightly
codegen_flags: <defaults>
</compile_context>

<pallas_src>
import functools

import jax
import jax.numpy as jnp
from jax import lax
from jax.experimental import pallas as pl
from jax.experimental.pallas import tpu as pltpu
from jax.experimental.pallas import tpu_sc as plsc

_BATCH = 4096
_SEQ = 128
_EMBED = 64
_ROWS = _BATCH * _SEQ
_NC = 2
_NS = 16
_NW = _NC * _NS
_NPW = _ROWS // _NW
_C = 128
_NCH = _NPW // _C
_LG = _EMBED // 16


def _body(ids_hbm, tok_hbm, pos_hbm, out_hbm,
          idx_all, row0, row1, out0, out1, posb,
          gsem0, gsem1, osem0, osem1):
    wid = lax.axis_index("s") * _NC + lax.axis_index("c")
    base = wid * _NPW

    rows = (row0, row1)
    outs = (out0, out1)
    gsems = (gsem0, gsem1)
    osems = (osem0, osem1)

    pltpu.sync_copy(ids_hbm.at[pl.ds(base, _NPW)], idx_all)
    pltpu.sync_copy(pos_hbm, posb)

    def gather(c, b):
        return pltpu.async_copy(
            tok_hbm.at[idx_all.at[pl.ds(c * _C, _C)]], rows[b], gsems[b])

    def outcopy(c, b):
        return pltpu.make_async_copy(
            outs[b], out_hbm.at[pl.ds(base + c * _C, _C)], osems[b])

    gather(0, 0)
    gather(1, 1)

    def chunk_pair(i, carry):
        for b in range(2):
            c = i * 2 + b
            pltpu.make_async_copy(
                tok_hbm.at[idx_all.at[pl.ds(c * _C, _C)]],
                rows[b], gsems[b]).wait()

            @pl.when(i >= 1)
            def _():
                outcopy(c - 2, b).wait()

            rb = rows[b]
            ob = outs[b]

            @plsc.parallel_loop(0, _C, step=1, unroll=2)
            def _(r):
                for g in range(_LG):
                    sl = pl.ds(g * 16, 16)
                    ob[r, sl] = rb[r, sl] + posb[r, sl]

            outcopy(c, b).start()

            @pl.when(i < _NCH // 2 - 1)
            def _():
                gather(c + 2, b)
        return carry

    lax.fori_loop(0, _NCH // 2, chunk_pair, 0)

    outcopy(_NCH - 2, 0).wait()
    outcopy(_NCH - 1, 1).wait()


@jax.jit
def _embed_lookup(ids_flat, token_embed, pos_embed):
    mesh = plsc.VectorSubcoreMesh(core_axis_name="c", subcore_axis_name="s",
                                  num_cores=_NC, num_subcores=_NS)
    return pl.kernel(
        _body,
        out_type=jax.ShapeDtypeStruct((_ROWS, _EMBED), jnp.float32),
        mesh=mesh,
        scratch_types=[
            pltpu.VMEM((_NPW,), jnp.int32),
            pltpu.VMEM((_C, _EMBED), jnp.float32),
            pltpu.VMEM((_C, _EMBED), jnp.float32),
            pltpu.VMEM((_C, _EMBED), jnp.float32),
            pltpu.VMEM((_C, _EMBED), jnp.float32),
            pltpu.VMEM((_SEQ, _EMBED), jnp.float32),
            pltpu.SemaphoreType.DMA,
            pltpu.SemaphoreType.DMA,
            pltpu.SemaphoreType.DMA,
            pltpu.SemaphoreType.DMA,
        ],
        compiler_params=pltpu.CompilerParams(use_tc_tiling_on_sc=False),
    )(ids_flat, token_embed, pos_embed)


def kernel(input_ids, token_embed, pos_embed):
    ids_flat = input_ids.reshape(-1).astype(jnp.int32)
    out = _embed_lookup(ids_flat, token_embed, pos_embed)
    return out.reshape(_BATCH, _SEQ, _EMBED)

# --- scband reference (transcript-rebuilt; emitter-appended) ---
"""Pipeline reference for scband-embeddings-59030030516775 (READ-ONLY COPY).

The authoritative reference and input builder live on the scoring server;
editing this copy changes nothing except your own understanding.
"""

import jax, jax.numpy as jnp
import numpy as np

VOCAB = 1000000
EMBED = 64
MAX_LEN = 128
BATCH = 4096
SEQ = 128

def setup_inputs(seed: int = 0) -> dict:
    key = jax.random.key(seed)
    k1, k2, k3 = jax.random.split(key, 3)
    input_ids = jax.random.randint(k1, (BATCH, SEQ), 0, VOCAB, dtype=jnp.int64 if jax.config.jax_enable_x64 else jnp.int32)
    token_embed = jax.random.normal(k2, (VOCAB, EMBED), dtype=jnp.float32) * 0.02
    pos_embed = jax.random.normal(k3, (MAX_LEN, EMBED), dtype=jnp.float32) * 0.02
    return {"input_ids": input_ids, "token_embed": token_embed, "pos_embed": pos_embed}

def reference(input_ids, token_embed, pos_embed):
    batch_size, seq_len = input_ids.shape
    positions = jnp.arange(seq_len)[None, :]
    positions = jnp.broadcast_to(positions, (batch_size, seq_len))
    token_embeddings = jnp.take(token_embed, input_ids, axis=0)
    position_embeddings = jnp.take(pos_embed, positions, axis=0)
    return token_embeddings + position_embeddings

if __name__ == "__main__":
    import jax
    _d = setup_inputs()
    print(jax.jit(kernel)(*tuple(_d.values())))

</pallas_src>

<mosaic_0001>
#map = affine_map<(d0, d1) -> (0)>
#map1 = affine_map<(d0, d1) -> (0, 0)>
module attributes {stable_mosaic.version = 14 : i64} {
  func.func @_body(%arg0: i32, %arg1: i32, %arg2: memref<524288xi32, #tpu.memory_space<hbm>>, %arg3: memref<1000000x64xf32, #tpu.memory_space<hbm>>, %arg4: memref<128x64xf32, #tpu.memory_space<hbm>>, %arg5: memref<524288x64xf32, #tpu.memory_space<hbm>>, %arg6: memref<16384xi32, #tpu.memory_space<vmem>>, %arg7: memref<128x64xf32, #tpu.memory_space<vmem>>, %arg8: memref<128x64xf32, #tpu.memory_space<vmem>>, %arg9: memref<128x64xf32, #tpu.memory_space<vmem>>, %arg10: memref<128x64xf32, #tpu.memory_space<vmem>>, %arg11: memref<128x64xf32, #tpu.memory_space<vmem>>, %arg12: memref<!tpu.dma_semaphore, #tpu.memory_space<semaphore_mem>>, %arg13: memref<!tpu.dma_semaphore, #tpu.memory_space<semaphore_mem>>, %arg14: memref<!tpu.dma_semaphore, #tpu.memory_space<semaphore_mem>>, %arg15: memref<!tpu.dma_semaphore, #tpu.memory_space<semaphore_mem>>) attributes {dimension_semantics = [#tpu.dimension_semantics<core_parallel>, #tpu.dimension_semantics<subcore_parallel>], iteration_bounds = array<i64: 2, 16>, scalar_prefetch = 0 : i64, scratch_operands = 10 : i64, tpu.core_type = #tpu.core_type<sc_vector_subcore>, window_params = [{transform_indices = #map}, {transform_indices = #map1}, {transform_indices = #map1}, {transform_indices = #map1}]} {
    %mul3A = arith.constant 2 : i32
    %mul3A_0 = arith.muli %arg1, %mul3A : i32
    %add3A = arith.addi %mul3A_0, %arg0 : i32
    %mul3A_1 = arith.constant 16384 : i32
    %mul3A_2 = arith.muli %add3A, %mul3A_1 : i32
    "tpu.region"() ({
      %run_scoped3A = tpu.sem_alloc : memref<!tpu.dma_semaphore, #tpu.memory_space<semaphore_mem>>
      %dma_start3A_28 = tpu.memref_slice %arg2[%mul3A_2] : memref<524288xi32, #tpu.memory_space<hbm>> -> memref<16384xi32, #tpu.memory_space<hbm>>
      %dma_start3A_29 = tpu.memref_slice %arg2[%mul3A_2] : memref<524288xi32, #tpu.memory_space<hbm>> -> memref<16384xi32, #tpu.memory_space<hbm>>
      tpu.enqueue_dma source(%dma_start3A_29 : memref<16384xi32, #tpu.memory_space<hbm>>) target(%arg6 : memref<16384xi32, #tpu.memory_space<vmem>>) target_semaphore(%run_scoped3A : memref<!tpu.dma_semaphore, #tpu.memory_space<semaphore_mem>>)
      %dma_wait3A_30 = tpu.memref_slice %arg2[%mul3A_2] : memref<524288xi32, #tpu.memory_space<hbm>> -> memref<16384xi32, #tpu.memory_space<hbm>>
      %dma_wait3A_31 = tpu.memref_slice %arg2[%mul3A_2] : memref<524288xi32, #tpu.memory_space<hbm>> -> memref<16384xi32, #tpu.memory_space<hbm>>
      tpu.wait_dma2 semaphore(%run_scoped3A : memref<!tpu.dma_semaphore, #tpu.memory_space<semaphore_mem>>) src(%dma_wait3A_31 : memref<16384xi32, #tpu.memory_space<hbm>>) dst(%arg6 : memref<16384xi32, #tpu.memory_space<vmem>>)
      tpu.yield
    }) : () -> ()
    "tpu.region"() ({
      %run_scoped3A = tpu.sem_alloc : memref<!tpu.dma_semaphore, #tpu.memory_space<semaphore_mem>>
      tpu.enqueue_dma source(%arg4 : memref<128x64xf32, #tpu.memory_space<hbm>>) target(%arg11 : memref<128x64xf32, #tpu.memory_space<vmem>>) target_semaphore(%run_scoped3A : memref<!tpu.dma_semaphore, #tpu.memory_space<semaphore_mem>>)
      tpu.wait_dma2 semaphore(%run_scoped3A : memref<!tpu.dma_semaphore, #tpu.memory_space<semaphore_mem>>) src(%arg4 : memref<128x64xf32, #tpu.memory_space<hbm>>) dst(%arg11 : memref<128x64xf32, #tpu.memory_space<vmem>>)
      tpu.yield
    }) : () -> ()
    %dma_start3A = arith.constant 0 : i32
    %dma_start3A_3 = tpu.memref_slice %arg6[%dma_start3A] : memref<16384xi32, #tpu.memory_space<vmem>> -> memref<128xi32, #tpu.memory_space<vmem>>
    %dma_start3A_4 = arith.constant 0 : i32
    %dma_start3A_5 = arith.constant 0 : i32
    %dma_start3A_6 = tpu.memref_slice %arg3[%dma_start3A_4, %dma_start3A_5] : memref<1000000x64xf32, #tpu.memory_space<hbm>> -> memref<1000000x64xf32, #tpu.memory_space<hbm>>
    tpu.enqueue_indirect_dma source(%dma_start3A_6 : memref<1000000x64xf32, #tpu.memory_space<hbm>>) target(%arg7 : memref<128x64xf32, #tpu.memory_space<vmem>>) offsets(%dma_start3A_3 : memref<128xi32, #tpu.memory_space<vmem>>) semaphore(%arg12 : memref<!tpu.dma_semaphore, #tpu.memory_space<semaphore_mem>>)
    %dma_start3A_7 = arith.constant 128 : i32
    %dma_start3A_8 = tpu.memref_slice %arg6[%dma_start3A_7] : memref<16384xi32, #tpu.memory_space<vmem>> -> memref<128xi32, #tpu.memory_space<vmem>>
    %dma_start3A_9 = arith.constant 0 : i32
    %dma_start3A_10 = arith.constant 0 : i32
    %dma_start3A_11 = tpu.memref_slice %arg3[%dma_start3A_9, %dma_start3A_10] : memref<1000000x64xf32, #tpu.memory_space<hbm>> -> memref<1000000x64xf32, #tpu.memory_space<hbm>>
    tpu.enqueue_indirect_dma source(%dma_start3A_11 : memref<1000000x64xf32, #tpu.memory_space<hbm>>) target(%arg8 : memref<128x64xf32, #tpu.memory_space<vmem>>) offsets(%dma_start3A_8 : memref<128xi32, #tpu.memory_space<vmem>>) semaphore(%arg13 : memref<!tpu.dma_semaphore, #tpu.memory_space<semaphore_mem>>)
    %scan3A = arith.constant 0 : i32
    %scan3A_12 = arith.constant 0 : i32
    %scan3A_13 = arith.constant 64 : i32
    %scan3A_14 = arith.addi %scan3A_12, %scan3A_13 : i32
    %scan3A_15 = arith.constant 1 : i32
    scf.for %scan3A_28 = %scan3A_12 to %scan3A_14 step %scan3A_15  : i32 {
      %mul3A_29 = arith.constant 2 : i32
      %mul3A_30 = arith.muli %scan3A_28, %mul3A_29 : i32
      %add3A_31 = arith.constant 0 : i32
      %add3A_32 = arith.addi %mul3A_30, %add3A_31 : i32
      %mul3A_33 = arith.constant 128 : i32
      %mul3A_34 = arith.muli %add3A_32, %mul3A_33 : i32
      %dma_wait3A_35 = tpu.memref_slice %arg6[%mul3A_34] : memref<16384xi32, #tpu.memory_space<vmem>> -> memref<128xi32, #tpu.memory_space<vmem>>
      %dma_wait3A_36 = arith.constant 0 : i32
      %dma_wait3A_37 = arith.constant 0 : i32
      %dma_wait3A_38 = tpu.memref_slice %arg3[%dma_wait3A_36, %dma_wait3A_37] : memref<1000000x64xf32, #tpu.memory_space<hbm>> -> memref<1000000x64xf32, #tpu.memory_space<hbm>>
      tpu.wait_indirect_dma semaphore(%arg12 : memref<!tpu.dma_semaphore, #tpu.memory_space<semaphore_mem>>) src(%dma_wait3A_38 : memref<1000000x64xf32, #tpu.memory_space<hbm>>) dst(%arg7 : memref<128x64xf32, #tpu.memory_space<vmem>>)
      %ge3A = arith.constant 1 : i32
      %ge3A_39 = arith.cmpi sge, %scan3A_28, %ge3A : i32
      %convert_element_type3A = arith.extui %ge3A_39 : i1 to i32
      %cond3A = arith.constant 0 : i32
      %cond3A_40 = arith.cmpi ne, %convert_element_type3A, %cond3A : i32
      scf.if %cond3A_40 {
        %sub3A = arith.constant 2 : i32
        %sub3A_84 = arith.subi %add3A_32, %sub3A : i32
        %mul3A_85 = arith.constant 128 : i32
        %mul3A_86 = arith.muli %sub3A_84, %mul3A_85 : i32
        %add3A_87 = arith.addi %mul3A_2, %mul3A_86 : i32
        %dma_wait3A_88 = arith.constant 0 : i32
        %dma_wait3A_89 = tpu.memref_slice %arg5[%add3A_87, %dma_wait3A_88] : memref<524288x64xf32, #tpu.memory_space<hbm>> -> memref<128x64xf32, #tpu.memory_space<hbm>>
        %dma_wait3A_90 = arith.constant 0 : i32
        %dma_wait3A_91 = tpu.memref_slice %arg5[%add3A_87, %dma_wait3A_90] : memref<524288x64xf32, #tpu.memory_space<hbm>> -> memref<128x64xf32, #tpu.memory_space<hbm>>
        tpu.wait_dma2 semaphore(%arg14 : memref<!tpu.dma_semaphore, #tpu.memory_space<semaphore_mem>>) src(%arg9 : memref<128x64xf32, #tpu.memory_space<vmem>>) dst(%dma_wait3A_91 : memref<128x64xf32, #tpu.memory_space<hbm>>)
      } else {
      }
      %parallel_loop3A = arith.constant 0 : i32
      %parallel_loop3A_41 = arith.constant 128 : i32
      %parallel_loop3A_42 = arith.constant 1 : i32
      scf.for %parallel_loop3A_84 = %parallel_loop3A to %parallel_loop3A_41 step %parallel_loop3A_42  : i32 {
        %parallel_loop3A_85 = arith.index_cast %parallel_loop3A_84 : i32 to index
        %parallel_loop3A_86 = arith.constant 0 : index
        %parallel_loop3A_87 = tpu.vector_load %arg7[%parallel_loop3A_85, %parallel_loop3A_86] {strides = array<i32>} : memref<128x64xf32, #tpu.memory_space<vmem>>, vector<1x16xf32>,
        %parallel_loop3A_88 = vector.shape_cast %parallel_loop3A_87 : vector<1x16xf32> to vector<16xf32>
        %parallel_loop3A_89 = arith.index_cast %parallel_loop3A_84 : i32 to index
        %parallel_loop3A_90 = arith.constant 0 : index
        %parallel_loop3A_91 = tpu.vector_load %arg11[%parallel_loop3A_89, %parallel_loop3A_90] {strides = array<i32>} : memref<128x64xf32, #tpu.memory_space<vmem>>, vector<1x16xf32>,
        %parallel_loop3A_92 = vector.shape_cast %parallel_loop3A_91 : vector<1x16xf32> to vector<16xf32>
        %parallel_loop3A_93 = arith.addf %parallel_loop3A_88, %parallel_loop3A_92 : vector<16xf32>
        %parallel_loop3A_94 = arith.index_cast %parallel_loop3A_84 : i32 to index
        %parallel_loop3A_95 = arith.constant 0 : index
        %parallel_loop3A_96 = tpu.vector_load %arg9[%parallel_loop3A_94, %parallel_loop3A_95] {strides = array<i32>} : memref<128x64xf32, #tpu.memory_space<vmem>>, vector<1x16xf32>,
        %parallel_loop3A_97 = vector.shape_cast %parallel_loop3A_96 : vector<1x16xf32> to vector<16xf32>
        %parallel_loop3A_98 = vector.shape_cast %parallel_loop3A_93 : vector<16xf32> to vector<1x16xf32>
        tpu.vector_store %arg9[%parallel_loop3A_94, %parallel_loop3A_95], %parallel_loop3A_98 {strides = array<i32>} : memref<128x64xf32, #tpu.memory_space<vmem>>, vector<1x16xf32>,
        %parallel_loop3A_99 = arith.index_cast %parallel_loop3A_84 : i32 to index
        %parallel_loop3A_100 = arith.constant 16 : index
        %parallel_loop3A_101 = tpu.vector_load %arg7[%parallel_loop3A_99, %parallel_loop3A_100] {strides = array<i32>} : memref<128x64xf32, #tpu.memory_space<vmem>>, vector<1x16xf32>,
        %parallel_loop3A_102 = vector.shape_cast %parallel_loop3A_101 : vector<1x16xf32> to vector<16xf32>
        %parallel_loop3A_103 = arith.index_cast %parallel_loop3A_84 : i32 to index
        %parallel_loop3A_104 = arith.constant 16 : index
        %parallel_loop3A_105 = tpu.vector_load %arg11[%parallel_loop3A_103, %parallel_loop3A_104] {strides = array<i32>} : memref<128x64xf32, #tpu.memory_space<vmem>>, vector<1x16xf32>,
        %parallel_loop3A_106 = vector.shape_cast %parallel_loop3A_105 : vector<1x16xf32> to vector<16xf32>
        %parallel_loop3A_107 = arith.addf %parallel_loop3A_102, %parallel_loop3A_106 : vector<16xf32>
        %parallel_loop3A_108 = arith.index_cast %parallel_loop3A_84 : i32 to index
        %parallel_loop3A_109 = arith.constant 16 : index
        %parallel_loop3A_110 = tpu.vector_load %arg9[%parallel_loop3A_108, %parallel_loop3A_109] {strides = array<i32>} : memref<128x64xf32, #tpu.memory_space<vmem>>, vector<1x16xf32>,
        %parallel_loop3A_111 = vector.shape_cast %parallel_loop3A_110 : vector<1x16xf32> to vector<16xf32>
        %parallel_loop3A_112 = vector.shape_cast %parallel_loop3A_107 : vector<16xf32> to vector<1x16xf32>
        tpu.vector_store %arg9[%parallel_loop3A_108, %parallel_loop3A_109], %parallel_loop3A_112 {strides = array<i32>} : memref<128x64xf32, #tpu.memory_space<vmem>>, vector<1x16xf32>,
        %parallel_loop3A_113 = arith.index_cast %parallel_loop3A_84 : i32 to index
        %parallel_loop3A_114 = arith.constant 32 : index
        %parallel_loop3A_115 = tpu.vector_load %arg7[%parallel_loop3A_113, %parallel_loop3A_114] {strides = array<i32>} : memref<128x64xf32, #tpu.memory_space<vmem>>, vector<1x16xf32>,
        %parallel_loop3A_116 = vector.shape_cast %parallel_loop3A_115 : vector<1x16xf32> to vector<16xf32>
        %parallel_loop3A_117 = arith.index_cast %parallel_loop3A_84 : i32 to index
        %parallel_loop3A_118 = arith.constant 32 : index
        %parallel_loop3A_119 = tpu.vector_load %arg11[%parallel_loop3A_117, %parallel_loop3A_118] {strides = array<i32>} : memref<128x64xf32, #tpu.memory_space<vmem>>, vector<1x16xf32>,
        %parallel_loop3A_120 = vector.shape_cast %parallel_loop3A_119 : vector<1x16xf32> to vector<16xf32>
        %parallel_loop3A_121 = arith.addf %parallel_loop3A_116, %parallel_loop3A_120 : vector<16xf32>
        %parallel_loop3A_122 = arith.index_cast %parallel_loop3A_84 : i32 to index
        %parallel_loop3A_123 = arith.constant 32 : index
        %parallel_loop3A_124 = tpu.vector_load %arg9[%parallel_loop3A_122, %parallel_loop3A_123] {strides = array<i32>} : memref<128x64xf32, #tpu.memory_space<vmem>>, vector<1x16xf32>,
        %parallel_loop3A_125 = vector.shape_cast %parallel_loop3A_124 : vector<1x16xf32> to vector<16xf32>
        %parallel_loop3A_126 = vector.shape_cast %parallel_loop3A_121 : vector<16xf32> to vector<1x16xf32>
        tpu.vector_store %arg9[%parallel_loop3A_122, %parallel_loop3A_123], %parallel_loop3A_126 {strides = array<i32>} : memref<128x64xf32, #tpu.memory_space<vmem>>, vector<1x16xf32>,
        %parallel_loop3A_127 = arith.index_cast %parallel_loop3A_84 : i32 to index
        %parallel_loop3A_128 = arith.constant 48 : index
        %parallel_loop3A_129 = tpu.vector_load %arg7[%parallel_loop3A_127, %parallel_loop3A_128] {strides = array<i32>} : memref<128x64xf32, #tpu.memory_space<vmem>>, vector<1x16xf32>,
        %parallel_loop3A_130 = vector.shape_cast %parallel_loop3A_129 : vector<1x16xf32> to vector<16xf32>
        %parallel_loop3A_131 = arith.index_cast %parallel_loop3A_84 : i32 to index
        %parallel_loop3A_132 = arith.constant 48 : index
        %parallel_loop3A_133 = tpu.vector_load %arg11[%parallel_loop3A_131, %parallel_loop3A_132] {strides = array<i32>} : memref<128x64xf32, #tpu.memory_space<vmem>>, vector<1x16xf32>,
        %parallel_loop3A_134 = vector.shape_cast %parallel_loop3A_133 : vector<1x16xf32> to vector<16xf32>
        %parallel_loop3A_135 = arith.addf %parallel_loop3A_130, %parallel_loop3A_134 : vector<16xf32>
        %parallel_loop3A_136 = arith.index_cast %parallel_loop3A_84 : i32 to index
        %parallel_loop3A_137 = arith.constant 48 : index
        %parallel_loop3A_138 = tpu.vector_load %arg9[%parallel_loop3A_136, %parallel_loop3A_137] {strides = array<i32>} : memref<128x64xf32, #tpu.memory_space<vmem>>, vector<1x16xf32>,
        %parallel_loop3A_139 = vector.shape_cast %parallel_loop3A_138 : vector<1x16xf32> to vector<16xf32>
        %parallel_loop3A_140 = vector.shape_cast %parallel_loop3A_135 : vector<16xf32> to vector<1x16xf32>
        tpu.vector_store %arg9[%parallel_loop3A_136, %parallel_loop3A_137], %parallel_loop3A_140 {strides = array<i32>} : memref<128x64xf32, #tpu.memory_space<vmem>>, vector<1x16xf32>,
      } {sc.loop_unroll_factor = 2 : i64, sc.parallel_access}
      %mul3A_43 = arith.constant 128 : i32
      %mul3A_44 = arith.muli %add3A_32, %mul3A_43 : i32
      %add3A_45 = arith.addi %mul3A_2, %mul3A_44 : i32
      %dma_start3A_46 = arith.constant 0 : i32
      %dma_start3A_47 = tpu.memref_slice %arg5[%add3A_45, %dma_start3A_46] : memref<524288x64xf32, #tpu.memory_space<hbm>> -> memref<128x64xf32, #tpu.memory_space<hbm>>
      %dma_start3A_48 = arith.constant 0 : i32
      %dma_start3A_49 = tpu.memref_slice %arg5[%add3A_45, %dma_start3A_48] : memref<524288x64xf32, #tpu.memory_space<hbm>> -> memref<128x64xf32, #tpu.memory_space<hbm>>
      tpu.enqueue_dma source(%arg9 : memref<128x64xf32, #tpu.memory_space<vmem>>) target(%dma_start3A_49 : memref<128x64xf32, #tpu.memory_space<hbm>>) target_semaphore(%arg14 : memref<!tpu.dma_semaphore, #tpu.memory_space<semaphore_mem>>)
      %lt3A = arith.constant 63 : i32
      %lt3A_50 = arith.cmpi slt, %scan3A_28, %lt3A : i32
      %convert_element_type3A_51 = arith.extui %lt3A_50 : i1 to i32
      %cond3A_52 = arith.constant 0 : i32
      %cond3A_53 = arith.cmpi ne, %convert_element_type3A_51, %cond3A_52 : i32
      scf.if %cond3A_53 {
        %add3A_84 = arith.constant 2 : i32
        %add3A_85 = arith.addi %add3A_32, %add3A_84 : i32
        %mul3A_86 = arith.constant 128 : i32
        %mul3A_87 = arith.muli %add3A_85, %mul3A_86 : i32
        %dma_start3A_88 = tpu.memref_slice %arg6[%mul3A_87] : memref<16384xi32, #tpu.memory_space<vmem>> -> memref<128xi32, #tpu.memory_space<vmem>>
        %dma_start3A_89 = arith.constant 0 : i32
        %dma_start3A_90 = arith.constant 0 : i32
        %dma_start3A_91 = tpu.memref_slice %arg3[%dma_start3A_89, %dma_start3A_90] : memref<1000000x64xf32, #tpu.memory_space<hbm>> -> memref<1000000x64xf32, #tpu.memory_space<hbm>>
        tpu.enqueue_indirect_dma source(%dma_start3A_91 : memref<1000000x64xf32, #tpu.memory_space<hbm>>) target(%arg7 : memref<128x64xf32, #tpu.memory_space<vmem>>) offsets(%dma_start3A_88 : memref<128xi32, #tpu.memory_space<vmem>>) semaphore(%arg12 : memref<!tpu.dma_semaphore, #tpu.memory_space<semaphore_mem>>)
      } else {
      }
      %mul3A_54 = arith.constant 2 : i32
      %mul3A_55 = arith.muli %scan3A_28, %mul3A_54 : i32
      %add3A_56 = arith.constant 1 : i32
      %add3A_57 = arith.addi %mul3A_55, %add3A_56 : i32
      %mul3A_58 = arith.constant 128 : i32
      %mul3A_59 = arith.muli %add3A_57, %mul3A_58 : i32
      %dma_wait3A_60 = tpu.memref_slice %arg6[%mul3A_59] : memref<16384xi32, #tpu.memory_space<vmem>> -> memref<128xi32, #tpu.memory_space<vmem>>
      %dma_wait3A_61 = arith.constant 0 : i32
      %dma_wait3A_62 = arith.constant 0 : i32
      %dma_wait3A_63 = tpu.memref_slice %arg3[%dma_wait3A_61, %dma_wait3A_62] : memref<1000000x64xf32, #tpu.memory_space<hbm>> -> memref<1000000x64xf32, #tpu.memory_space<hbm>>
      tpu.wait_indirect_dma semaphore(%arg13 : memref<!tpu.dma_semaphore, #tpu.memory_space<semaphore_mem>>) src(%dma_wait3A_63 : memref<1000000x64xf32, #tpu.memory_space<hbm>>) dst(%arg8 : memref<128x64xf32, #tpu.memory_space<vmem>>)
      %ge3A_64 = arith.constant 1 : i32
      %ge3A_65 = arith.cmpi sge, %scan3A_28, %ge3A_64 : i32
      %convert_element_type3A_66 = arith.extui %ge3A_65 : i1 to i32
      %cond3A_67 = arith.constant 0 : i32
      %cond3A_68 = arith.cmpi ne, %convert_element_type3A_66, %cond3A_67 : i32
      scf.if %cond3A_68 {
        %sub3A = arith.constant 2 : i32
        %sub3A_84 = arith.subi %add3A_57, %sub3A : i32
        %mul3A_85 = arith.constant 128 : i32
        %mul3A_86 = arith.muli %sub3A_84, %mul3A_85 : i32
        %add3A_87 = arith.addi %mul3A_2, %mul3A_86 : i32
        %dma_wait3A_88 = arith.constant 0 : i32
        %dma_wait3A_89 = tpu.memref_slice %arg5[%add3A_87, %dma_wait3A_88] : memref<524288x64xf32, #tpu.memory_space<hbm>> -> memref<128x64xf32, #tpu.memory_space<hbm>>
        %dma_wait3A_90 = arith.constant 0 : i32
        %dma_wait3A_91 = tpu.memref_slice %arg5[%add3A_87, %dma_wait3A_90] : memref<524288x64xf32, #tpu.memory_space<hbm>> -> memref<128x64xf32, #tpu.memory_space<hbm>>
        tpu.wait_dma2 semaphore(%arg15 : memref<!tpu.dma_semaphore, #tpu.memory_space<semaphore_mem>>) src(%arg10 : memref<128x64xf32, #tpu.memory_space<vmem>>) dst(%dma_wait3A_91 : memref<128x64xf32, #tpu.memory_space<hbm>>)
      } else {
      }
      %parallel_loop3A_69 = arith.constant 0 : i32
      %parallel_loop3A_70 = arith.constant 128 : i32
      %parallel_loop3A_71 = arith.constant 1 : i32
      scf.for %parallel_loop3A_84 = %parallel_loop3A_69 to %parallel_loop3A_70 step %parallel_loop3A_71  : i32 {
        %parallel_loop3A_85 = arith.index_cast %parallel_loop3A_84 : i32 to index
        %parallel_loop3A_86 = arith.constant 0 : index
        %parallel_loop3A_87 = tpu.vector_load %arg8[%parallel_loop3A_85, %parallel_loop3A_86] {strides = array<i32>} : memref<128x64xf32, #tpu.memory_space<vmem>>, vector<1x16xf32>,
        %parallel_loop3A_88 = vector.shape_cast %parallel_loop3A_87 : vector<1x16xf32> to vector<16xf32>
        %parallel_loop3A_89 = arith.index_cast %parallel_loop3A_84 : i32 to index
        %parallel_loop3A_90 = arith.constant 0 : index
        %parallel_loop3A_91 = tpu.vector_load %arg11[%parallel_loop3A_89, %parallel_loop3A_90] {strides = array<i32>} : memref<128x64xf32, #tpu.memory_space<vmem>>, vector<1x16xf32>,
        %parallel_loop3A_92 = vector.shape_cast %parallel_loop3A_91 : vector<1x16xf32> to vector<16xf32>
        %parallel_loop3A_93 = arith.addf %parallel_loop3A_88, %parallel_loop3A_92 : vector<16xf32>
        %parallel_loop3A_94 = arith.index_cast %parallel_loop3A_84 : i32 to index
        %parallel_loop3A_95 = arith.constant 0 : index
        %parallel_loop3A_96 = tpu.vector_load %arg10[%parallel_loop3A_94, %parallel_loop3A_95] {strides = array<i32>} : memref<128x64xf32, #tpu.memory_space<vmem>>, vector<1x16xf32>,
        %parallel_loop3A_97 = vector.shape_cast %parallel_loop3A_96 : vector<1x16xf32> to vector<16xf32>
        %parallel_loop3A_98 = vector.shape_cast %parallel_loop3A_93 : vector<16xf32> to vector<1x16xf32>
        tpu.vector_store %arg10[%parallel_loop3A_94, %parallel_loop3A_95], %parallel_loop3A_98 {strides = array<i32>} : memref<128x64xf32, #tpu.memory_space<vmem>>, vector<1x16xf32>,
        %parallel_loop3A_99 = arith.index_cast %parallel_loop3A_84 : i32 to index
        %parallel_loop3A_100 = arith.constant 16 : index
        %parallel_loop3A_101 = tpu.vector_load %arg8[%parallel_loop3A_99, %parallel_loop3A_100] {strides = array<i32>} : memref<128x64xf32, #tpu.memory_space<vmem>>, vector<1x16xf32>,
        %parallel_loop3A_102 = vector.shape_cast %parallel_loop3A_101 : vector<1x16xf32> to vector<16xf32>
        %parallel_loop3A_103 = arith.index_cast %parallel_loop3A_84 : i32 to index
        %parallel_loop3A_104 = arith.constant 16 : index
        %parallel_loop3A_105 = tpu.vector_load %arg11[%parallel_loop3A_103, %parallel_loop3A_104] {strides = array<i32>} : memref<128x64xf32, #tpu.memory_space<vmem>>, vector<1x16xf32>,
        %parallel_loop3A_106 = vector.shape_cast %parallel_loop3A_105 : vector<1x16xf32> to vector<16xf32>
        %parallel_loop3A_107 = arith.addf %parallel_loop3A_102, %parallel_loop3A_106 : vector<16xf32>
        %parallel_loop3A_108 = arith.index_cast %parallel_loop3A_84 : i32 to index
        %parallel_loop3A_109 = arith.constant 16 : index
        %parallel_loop3A_110 = tpu.vector_load %arg10[%parallel_loop3A_108, %parallel_loop3A_109] {strides = array<i32>} : memref<128x64xf32, #tpu.memory_space<vmem>>, vector<1x16xf32>,
        %parallel_loop3A_111 = vector.shape_cast %parallel_loop3A_110 : vector<1x16xf32> to vector<16xf32>
        %parallel_loop3A_112 = vector.shape_cast %parallel_loop3A_107 : vector<16xf32> to vector<1x16xf32>
        tpu.vector_store %arg10[%parallel_loop3A_108, %parallel_loop3A_109], %parallel_loop3A_112 {strides = array<i32>} : memref<128x64xf32, #tpu.memory_space<vmem>>, vector<1x16xf32>,
        %parallel_loop3A_113 = arith.index_cast %parallel_loop3A_84 : i32 to index
        %parallel_loop3A_114 = arith.constant 32 : index
        %parallel_loop3A_115 = tpu.vector_load %arg8[%parallel_loop3A_113, %parallel_loop3A_114] {strides = array<i32>} : memref<128x64xf32, #tpu.memory_space<vmem>>, vector<1x16xf32>,
        %parallel_loop3A_116 = vector.shape_cast %parallel_loop3A_115 : vector<1x16xf32> to vector<16xf32>
        %parallel_loop3A_117 = arith.index_cast %parallel_loop3A_84 : i32 to index
        %parallel_loop3A_118 = arith.constant 32 : index
        %parallel_loop3A_119 = tpu.vector_load %arg11[%parallel_loop3A_117, %parallel_loop3A_118] {strides = array<i32>} : memref<128x64xf32, #tpu.memory_space<vmem>>, vector<1x16xf32>,
        %parallel_loop3A_120 = vector.shape_cast %parallel_loop3A_119 : vector<1x16xf32> to vector<16xf32>
        %parallel_loop3A_121 = arith.addf %parallel_loop3A_116, %parallel_loop3A_120 : vector<16xf32>
        %parallel_loop3A_122 = arith.index_cast %parallel_loop3A_84 : i32 to index
        %parallel_loop3A_123 = arith.constant 32 : index
        %parallel_loop3A_124 = tpu.vector_load %arg10[%parallel_loop3A_122, %parallel_loop3A_123] {strides = array<i32>} : memref<128x64xf32, #tpu.memory_space<vmem>>, vector<1x16xf32>,
        %parallel_loop3A_125 = vector.shape_cast %parallel_loop3A_124 : vector<1x16xf32> to vector<16xf32>
        %parallel_loop3A_126 = vector.shape_cast %parallel_loop3A_121 : vector<16xf32> to vector<1x16xf32>
        tpu.vector_store %arg10[%parallel_loop3A_122, %parallel_loop3A_123], %parallel_loop3A_126 {strides = array<i32>} : memref<128x64xf32, #tpu.memory_space<vmem>>, vector<1x16xf32>,
        %parallel_loop3A_127 = arith.index_cast %parallel_loop3A_84 : i32 to index
        %parallel_loop3A_128 = arith.constant 48 : index
        %parallel_loop3A_129 = tpu.vector_load %arg8[%parallel_loop3A_127, %parallel_loop3A_128] {strides = array<i32>} : memref<128x64xf32, #tpu.memory_space<vmem>>, vector<1x16xf32>,
        %parallel_loop3A_130 = vector.shape_cast %parallel_loop3A_129 : vector<1x16xf32> to vector<16xf32>
        %parallel_loop3A_131 = arith.index_cast %parallel_loop3A_84 : i32 to index
        %parallel_loop3A_132 = arith.constant 48 : index
        %parallel_loop3A_133 = tpu.vector_load %arg11[%parallel_loop3A_131, %parallel_loop3A_132] {strides = array<i32>} : memref<128x64xf32, #tpu.memory_space<vmem>>, vector<1x16xf32>,
        %parallel_loop3A_134 = vector.shape_cast %parallel_loop3A_133 : vector<1x16xf32> to vector<16xf32>
        %parallel_loop3A_135 = arith.addf %parallel_loop3A_130, %parallel_loop3A_134 : vector<16xf32>
        %parallel_loop3A_136 = arith.index_cast %parallel_loop3A_84 : i32 to index
        %parallel_loop3A_137 = arith.constant 48 : index
        %parallel_loop3A_138 = tpu.vector_load %arg10[%parallel_loop3A_136, %parallel_loop3A_137] {strides = array<i32>} : memref<128x64xf32, #tpu.memory_space<vmem>>, vector<1x16xf32>,
        %parallel_loop3A_139 = vector.shape_cast %parallel_loop3A_138 : vector<1x16xf32> to vector<16xf32>
        %parallel_loop3A_140 = vector.shape_cast %parallel_loop3A_135 : vector<16xf32> to vector<1x16xf32>
        tpu.vector_store %arg10[%parallel_loop3A_136, %parallel_loop3A_137], %parallel_loop3A_140 {strides = array<i32>} : memref<128x64xf32, #tpu.memory_space<vmem>>, vector<1x16xf32>,
      } {sc.loop_unroll_factor = 2 : i64, sc.parallel_access}
      %mul3A_72 = arith.constant 128 : i32
      %mul3A_73 = arith.muli %add3A_57, %mul3A_72 : i32
      %add3A_74 = arith.addi %mul3A_2, %mul3A_73 : i32
      %dma_start3A_75 = arith.constant 0 : i32
      %dma_start3A_76 = tpu.memref_slice %arg5[%add3A_74, %dma_start3A_75] : memref<524288x64xf32, #tpu.memory_space<hbm>> -> memref<128x64xf32, #tpu.memory_space<hbm>>
      %dma_start3A_77 = arith.constant 0 : i32
      %dma_start3A_78 = tpu.memref_slice %arg5[%add3A_74, %dma_start3A_77] : memref<524288x64xf32, #tpu.memory_space<hbm>> -> memref<128x64xf32, #tpu.memory_space<hbm>>
      tpu.enqueue_dma source(%arg10 : memref<128x64xf32, #tpu.memory_space<vmem>>) target(%dma_start3A_78 : memref<128x64xf32, #tpu.memory_space<hbm>>) target_semaphore(%arg15 : memref<!tpu.dma_semaphore, #tpu.memory_space<semaphore_mem>>)
      %lt3A_79 = arith.constant 63 : i32
      %lt3A_80 = arith.cmpi slt, %scan3A_28, %lt3A_79 : i32
      %convert_element_type3A_81 = arith.extui %lt3A_80 : i1 to i32
      %cond3A_82 = arith.constant 0 : i32
      %cond3A_83 = arith.cmpi ne, %convert_element_type3A_81, %cond3A_82 : i32
      scf.if %cond3A_83 {
        %add3A_84 = arith.constant 2 : i32
        %add3A_85 = arith.addi %add3A_57, %add3A_84 : i32
        %mul3A_86 = arith.constant 128 : i32
        %mul3A_87 = arith.muli %add3A_85, %mul3A_86 : i32
        %dma_start3A_88 = tpu.memref_slice %arg6[%mul3A_87] : memref<16384xi32, #tpu.memory_space<vmem>> -> memref<128xi32, #tpu.memory_space<vmem>>
        %dma_start3A_89 = arith.constant 0 : i32
        %dma_start3A_90 = arith.constant 0 : i32
        %dma_start3A_91 = tpu.memref_slice %arg3[%dma_start3A_89, %dma_start3A_90] : memref<1000000x64xf32, #tpu.memory_space<hbm>> -> memref<1000000x64xf32, #tpu.memory_space<hbm>>
        tpu.enqueue_indirect_dma source(%dma_start3A_91 : memref<1000000x64xf32, #tpu.memory_space<hbm>>) target(%arg8 : memref<128x64xf32, #tpu.memory_space<vmem>>) offsets(%dma_start3A_88 : memref<128xi32, #tpu.memory_space<vmem>>) semaphore(%arg13 : memref<!tpu.dma_semaphore, #tpu.memory_space<semaphore_mem>>)
      } else {
      }
    }
    %scan3A_16 = arith.constant 64 : i32
    %add3A_17 = arith.constant 16128 : i32
    %add3A_18 = arith.addi %mul3A_2, %add3A_17 : i32
    %dma_wait3A = arith.constant 0 : i32
    %dma_wait3A_19 = tpu.memref_slice %arg5[%add3A_18, %dma_wait3A] : memref<524288x64xf32, #tpu.memory_space<hbm>> -> memref<128x64xf32, #tpu.memory_space<hbm>>
    %dma_wait3A_20 = arith.constant 0 : i32
    %dma_wait3A_21 = tpu.memref_slice %arg5[%add3A_18, %dma_wait3A_20] : memref<524288x64xf32, #tpu.memory_space<hbm>> -> memref<128x64xf32, #tpu.memory_space<hbm>>
    tpu.wait_dma2 semaphore(%arg14 : memref<!tpu.dma_semaphore, #tpu.memory_space<semaphore_mem>>) src(%arg9 : memref<128x64xf32, #tpu.memory_space<vmem>>) dst(%dma_wait3A_21 : memref<128x64xf32, #tpu.memory_space<hbm>>)
    %add3A_22 = arith.constant 16256 : i32
    %add3A_23 = arith.addi %mul3A_2, %add3A_22 : i32
    %dma_wait3A_24 = arith.constant 0 : i32
    %dma_wait3A_25 = tpu.memref_slice %arg5[%add3A_23, %dma_wait3A_24] : memref<524288x64xf32, #tpu.memory_space<hbm>> -> memref<128x64xf32, #tpu.memory_space<hbm>>
    %dma_wait3A_26 = arith.constant 0 : i32
    %dma_wait3A_27 = tpu.memref_slice %arg5[%add3A_23, %dma_wait3A_26] : memref<524288x64xf32, #tpu.memory_space<hbm>> -> memref<128x64xf32, #tpu.memory_space<hbm>>
    tpu.wait_dma2 semaphore(%arg15 : memref<!tpu.dma_semaphore, #tpu.memory_space<semaphore_mem>>) src(%arg10 : memref<128x64xf32, #tpu.memory_space<vmem>>) dst(%dma_wait3A_27 : memref<128x64xf32, #tpu.memory_space<hbm>>)
    return
  }
}

</mosaic_0001>

<sc_bundles>
// kernel: _embed_lookup.3.cloned.1.call-start
scs
__scs_entry_jumppad:
0x0: {  	(pc) =	sbr.rel $0x88, $3  }
0x1: {  	(tag) =	ssettag $0x0;
	lr =	simm.s32 $0x1  }
0x2: {  	[smem:$0x3F9E] =	sst lr;
	_ =	strace $0xD0000000  }
0x3: {  	_ = 	snop  }
0x4: {  	_ = 	snop  }
0x5: {  	_ = 	snop  }
0x6: {  	_ = 	snop  }
0x7: {  	_ = 	snop  }
__scs_overlays_trampoline_lowered:
0x8: {  	[smem:$0x3FAD] =	sst s0  }
0x9: {  	[smem:$0x3FAE] =	sst s1  }
0xa: {  	[smem:$0x3FAF] =	sst s2  }
0xb: {  	[smem:$0x3FB0] =	sst s3  }
0xc: {  	[smem:$0x3FB1] =	sst s4  }
0xd: {  	[smem:$0x3FB2] =	sst s5  }
0xe: {  	[smem:$0x3FB3] =	sst s6  }
0xf: {  	[smem:$0x3FB4] =	sst s7  }
0x10: {  	[smem:$0x3FB5] =	sst s8  }
0x11: {  	[smem:$0x3FB6] =	sst s9;
	s0 =	simm.s32 @!p0 $0x0  }
0x12: {  	s1 =	sld [smem:$0x3F9C];
	s0 =	simm.s32 @p0 $0x1  }
0x13: {  	[smem:$0x3FB7] =	sst s0;
	s0 =	simm.s32 @!p1 $0x0  }
0x14: {  	s2 =	sld [smem:$0x3F9B];
	s0 =	simm.s32 @p1 $0x1  }
0x15: {  	[smem:$0x3FB8] =	sst s0;
	s0 =	simm.s32 @!p2 $0x0  }
0x16: {  	s3 =	sld [smem:$0x3FDB];
	s0 =	simm.s32 @p2 $0x1  }
0x17: {  	s4 =	simm.s32 $0x1BF5;
	[smem:$0x3FBA] =	sst s0  }
0x18: {  	s0 =	sld [smem:$0x3F9D];
	_ =	swait.ge [sflag:s4], $0x0  }
0x19: {  	s7 =	sld [smem:$0x3F9E]  }
0x1a: {  	s8 =	sadd.s32 $0xFFFFE003, lr  }
0x1b: {  	s9 =	sadd.s32 $0xFFFFFEF7, lr;
	s5 =	simm.s32 $0xFFFFFFFF;
	p2 =	slt.u32 s8, $0xFFFFF086  }
0x1c: {  	p1 =	slt.u32 s9, $0xF7A;
	s5 =	simm.s32 @!p2 $0x0  }
0x1d: {  	s5 =	simm.s32 @p1 $0x1;
	p0 =	seq.s32 s7, s2  }
0x1e: {  	s7 =	smul.u32 @!p0 $0xF7A, s2;
	p2 =	seq.s32 @!p0 s5, $0x0  }
0x1f: {  	s9 =	smul.u32 $0xF7A, s1;
	s8 =	simm.s32 @!p0 $0x1BF5;
	p2 =	por !p2, p0  }
0x20: {  	[sflag:s8] =	ssyncset.s32 @!p0 $0xFFFFF086;
	s6 =	sadd.s32 @!p0 s3, s7;
	s7 =	simm.s32 @!p0 $0x108  }
0x21: {  	s3 =	sadd.s32 s3, s9;
	s6 =	sadd.s32 @!p0 $0x88, s6;
	s7 =	simm.s32 @p2 $0x1082  }
0x22: {  	[simem:s7], [sflag:s8] =	dma.local @!p0 [hbm:s6], $0xF7A  }
0x23: {  	s9 =	sor.u32 $0xD0000000, s2;
	s6 =	simm.s32 $0x108;
	_ =	swait.ge @!p0 [sflag:s8], $0x0  }
0x24: {  	s3 =	sadd.s32 $0x88, s3;
	s6 =	simm.s32 @!p1 $0x1082;
	[sflag:s4] =	ssyncset.s32 $0xFFFFF086  }
0x25: {  	[simem:s6], [sflag:s4] =	dma.local [hbm:s3], $0xF7A  }
0x26: {  	[smem:$0x3F9E] =	sst s1;
	(tag) =	ssettag s2;
	_ =	strace s9  }
0x27: {  	s1 =	sld [smem:$0x3FAE]  }
0x28: {  	s2 =	sld [smem:$0x3FAF]  }
0x29: {  	s4 =	sld [smem:$0x3FB1]  }
0x2a: {  	p0 =	seq.s32 s5, $0x0;
	s5 =	sld [smem:$0x3FB2]  }
0x2b: {  	s6 =	sld [smem:$0x3FB3]  }
0x2c: {  	s7 =	sld [smem:$0x3FB4]  }
0x2d: {  	s3 =	simm.s32 $0x108;
	s8 =	sld [smem:$0x3FB5]  }
0x2e: {  	s3 =	simm.s32 @!p0 $0x1082;
	s9 =	sld [smem:$0x3FB6]  }
0x2f: {  	lr =	sadd.s32 s0, s3;
	s0 =	sld [smem:$0x3FAD]  }
0x30: {  	s3 =	sld [smem:$0x3FB0]  }
0x31: {  	[smem:$0x3FB9] =	sst s10  }
0x32: {  	s10 =	sld [smem:$0x3FB7];
	_ =	sdelay $0x3  }
0x33: {  	p0 =	seq.s32 s10, $0x1;
	s10 =	sld [smem:$0x3FB9];
	_ =	sdelay $0x3  }
0x34: {  	[smem:$0x3FB9] =	sst s10  }
0x35: {  	s10 =	sld [smem:$0x3FB8];
	_ =	sdelay $0x3  }
0x36: {  	p1 =	seq.s32 s10, $0x1;
	s10 =	sld [smem:$0x3FB9];
	_ =	sdelay $0x3  }
0x37: {  	[smem:$0x3FB9] =	sst s10  }
0x38: {  	s10 =	sld [smem:$0x3FBA]  }
0x39: {  	_ = 	snop;
	(pc) =	sbr.ind lr, $3  }
0x3a: {  	_ = 	snop  }
0x3b: {  	_ = 	snop  }
0x3c: {  	p2 =	seq.s32 s10, $0x1;
	s10 =	sld [smem:$0x3FB9]  }
0x3d: {  	_ =	shalt  }
0x3e: {  	_ =	shalt  }
0x3f: {  	_ =	shalt  }
0x40: {  	_ =	shalt  }
0x41: {  	_ =	shalt  }
0x42: {  	_ =	shalt  }
0x43: {  	_ =	shalt  }
0x44: {  	_ =	shalt  }
0x45: {  	_ =	shalt  }
0x46: {  	_ =	shalt  }
0x47: {  	_ =	shalt  }
0x48: {  	_ =	shalt  }
0x49: {  	_ =	shalt  }
0x4a: {  	_ =	shalt  }
0x4b: {  	_ =	shalt  }
0x4c: {  	_ =	shalt  }
0x4d: {  	_ =	shalt  }
0x4e: {  	_ =	shalt  }
0x4f: {  	_ =	shalt  }
0x50: {  	_ =	shalt  }
0x51: {  	_ =	shalt  }
0x52: {  	_ =	shalt  }
0x53: {  	_ =	shalt  }
0x54: {  	_ =	shalt  }
0x55: {  	_ =	shalt  }
0x56: {  	_ =	shalt  }
0x57: {  	_ =	shalt  }
0x58: {  	_ =	shalt  }
0x59: {  	_ =	shalt  }
0x5a: {  	_ =	shalt  }
0x5b: {  	_ =	shalt  }
0x5c: {  	_ =	shalt  }
0x5d: {  	_ =	shalt  }
0x5e: {  	_ =	shalt  }
0x5f: {  	_ =	shalt  }
0x60: {  	_ =	shalt  }
0x61: {  	_ =	shalt  }
0x62: {  	_ =	shalt  }
0x63: {  	_ =	shalt  }
0x64: {  	_ =	shalt  }
0x65: {  	_ =	shalt  }
0x66: {  	_ =	shalt  }
0x67: {  	_ =	shalt  }
0x68: {  	_ =	shalt  }
0x69: {  	_ =	shalt  }
0x6a: {  	_ =	shalt  }
0x6b: {  	_ =	shalt  }
0x6c: {  	_ =	shalt  }
0x6d: {  	_ =	shalt  }
0x6e: {  	_ =	shalt  }
0x6f: {  	_ =	shalt  }
0x70: {  	_ =	shalt  }
0x71: {  	_ =	shalt  }
0x72: {  	_ =	shalt  }
0x73: {  	_ =	shalt  }
0x74: {  	_ =	shalt  }
0x75: {  	_ =	shalt  }
0x76: {  	_ =	shalt  }
0x77: {  	_ =	shalt  }
0x78: {  	_ =	shalt  }
0x79: {  	_ =	shalt  }
0x7a: {  	_ =	shalt  }
0x7b: {  	_ =	shalt  }
0x7c: {  	_ =	shalt  }
0x7d: {  	_ =	shalt  }
0x7e: {  	_ =	shalt  }
0x7f: {  	_ =	shalt  }
0x80: {  	_ =	shalt  }
0x81: {  	_ =	shalt  }
0x82: {  	_ =	shalt  }
0x83: {  	_ =	shalt  }
0x84: {  	_ =	shalt  }
0x85: {  	_ =	shalt  }
0x86: {  	_ =	shalt  }
0x87: {  	_ =	shalt  }
.Lfunc_end0:
.L_simem_size_0:
called_computation.1_lowered:
.L_overlay_start_0:
0x88: {  	s2 =	sld [smem:$0x3FD9]  }
0x89: {  	s3 =	sld [smem:$0x3FFE];
	_ =	sdelay $0x1  }
0x8a: {  	s1 =	srdreg.scid  }
0x8b: {  	s0 =	sand.u32 $0x1, s1  }
0x8c: {  	s17 =	sshll.u32 s0, $0xA;
	s2 =	sadd.s32 s3, s2  }
0x8d: {  	s2 =	sadd.s32 s2, s17  }
0x8e: {  	[smem:$0x3FC5] =	sst s2  }
0x8f: {  	_ = 	snop  }
0x90: {  	s2 =	sld [smem:$0x3FC9]  }
0x91: {  	s18 =	sld [smem:$0x3FD0];
	(tm) =	ssettm $0x1  }
0x92: {  	s4 =	sld [smem:$0x3FFB];
	_ =	sdelay $0x3  }
0x93: {  	_ =	strace s4  }
0x94: {  	s4 =	sld [smem:$0x3FFC];
	_ =	sdelay $0x3  }
0x95: {  	_ =	strace s4  }
0x96: {  	s4 =	sld [smem:$0x3FFD];
	_ =	sdelay $0x3  }
0x97: {  	_ =	strace s4  }
0x98: {  	_ =	strace $0x8FFFFFFF  }
0x99: {  	s19 =	sld [smem:$0x3FDB];
	_ =	sdelay $0x1  }
0x9a: {  	s5 =	simm.s32 $_scs_section_size  }
0x9b: {  	s6 =	simm.s32 $_size__tile_overlayer_lowered;
	s7 =	simm.s32 $_tile_overlayer_lowered  }
0x9c: {  	s22 =	simm.s32 $0x1BFF;
	s21 =	sshll.u32 s7, $0x1;
	s4 =	sadd.s32 s5, s19  }
0x9d: {  	s8 =	simm.s32 $0x0;
	s20 =	sshll.u32 s6, $0x1;
	s6 =	sadd.s32 s21, s4  }
0x9e: {  	[timem:s8], [sflag:s22] =	dma.local [hbm:s6], s20  }
0x9f: {  	_ =	swait.ge [sflag:s22], s20  }
0xa0: {  	s5 =	ssub.s32 $0x0, s20;
	[sflag:s22] =	ssyncset.done $0x0  }
0xa1: {  	[sflag:s22] =	ssyncadd.s32 s5;
	_ =	sdelay $0x1  }
0xa2: {  	s23 =	simm.s32 $0x1B8B  }
0xa3: {  	_ =	swait.ge [sflag:s23], $0x1  }
0xa4: {  	[sflag:s23] =	ssyncset.done $0x0  }
0xa5: {  	s25 =	simm.s32 $0x1B8E;
	s24 =	sld [smem:$0x3FFE];
	[sflag:s23] =	ssyncadd.s32 $0xFFFFFFFF  }
0xa6: {  	s26 =	simm.s32 $execute0_lowered;
	[smem:$0x3FD2] =	sst s25  }
0xa7: {  	s6 =	sshll.u32 s26, $0x1;
	_ =	strace $0x80000046;
	[dreg:$0x1] =	wrdreg $0xFFFFFFFF  }
0xa8: {  	s28 =	simm.s32 $_size_execute0_lowered;
	s4 =	sadd.s32 s4, s6;
	[dreg:$0x0] =	wrdreg $0x0  }
0xa9: {  	s6 =	sshll.u32 s28, $0x1;
	[dreg:$0x2] =	wrdreg s4  }
0xaa: {  	[dreg:$0x3] =	wrdreg s6  }
0xab: {  	[dreg:$0x4] =	wrdreg $0xC0  }
0xac: {  	_ =	task [dreg:s8], $0x5FFFF  }
0xad: {  	[dreg:$0x1] =	wrdreg $0xFFFFFFFF  }
0xae: {  	[dreg:$0x0] =	wrdreg $0x60  }
0xaf: {  	[dreg:$0x2] =	wrdreg s2  }
0xb0: {  	[dreg:$0x3] =	wrdreg s24  }
0xb1: {  	[dreg:$0x4] =	wrdreg s18  }
0xb2: {  	[dreg:$0x5] =	wrdreg $0x9  }
0xb3: {  	_ =	task.clear_ibuf [dreg:s8], $0x6FFFF;
	_ =	strace $0x90000046  }
0xb4: {  	s29 =	simm.s32 $0x9;
	_ =	strace $0x80000048  }
0xb5: {  	_ =	swait.ge [sflag:s29], $0x1  }
0xb6: {  	[sflag:s29] =	ssyncadd.s32 $0xFFFFFFFF  }
0xb7: {  	_ =	strace $0x90000048  }
0xb8: {  	_ =	sfence  }
0xb9: {  	s30 =	sld [smem:$0x0];
	_ =	sdelay $0x2  }
0xba: {  	s31 =	sshll.u32 s1, $0xD;
	s1 =	sshrl.u32 s1, $0x2  }
0xbb: {  	s3 =	sand.u32 $0x4000, s31;
	s1 =	sadd.s32 s1, s30  }
0xbc: {  	s0 =	sor.u32 s3, s0;
	s1 =	sshll.u32 s1, $0x11  }
0xbd: {  	s0 =	sor.u32 s1, s0  }
0xbe: {  	s0 =	sadd.s32 $0x8F2B, s0  }
0xbf: {  	[sflag:s0] =	ssyncadd.remote.s32 $0x1  }
0xc0: {  	_ =	sfence.sel $0xFFFF  }
0xc1: {  	[dreg:$0x0] =	wrdreg $0xFFFFFFFF;
	(pc) =	sbr.abs _section_cstart, $3  }
0xc2: {  	[dreg:$0x1] =	wrdreg $0xFFFFFFFF  }
0xc3: {  	_ =	task.clear_ibuf [dreg:s8], $0x2FFFF;
	_ =	strace $0x9FFFFFFF  }
0xc4: {  	(tm) =	ssettm $0x7FFFFFFF  }
0xc5: {  	_ =	shalt  }
tec
execute0_lowered:
.L_overlay_start_1:
0x0: {  	(tag) =	ssettag $0x1  }
0x1: {  	s0 =	rddreg [dreg:$0x0]  }
0x2: {  	s4 =	rddreg [dreg:$0x1]  }
0x3: {  	s5 =	rddreg [dreg:$0x2]  }
0x4: {  	s2 =	simm.s32 $0x0;
	s3 =	srdreg.scid;
	s1 =	stileid.u32  }
0x5: {  	s10 =	simm.s32 $0xC000;
	s11 =	simm.s32 $0x80;
	s12 =	simm.s32 $0x4000  }
0x6: {  	s13 =	simm.s32 $0x6000;
	s14 =	simm.s32 $0x1;
	s15 =	simm.s32 $0x8000  }
0x7: {  	s16 =	simm.s32 $0x2;
	s17 =	simm.s32 $0x4;
	s18 =	simm.s32 $0xA000  }
0x8: {  	s19 =	simm.s32 $0x3;
	s20 =	simm.s32 $0x0;
	[smem:$0x7FF] =	sst s2  }
0x9: {  	s6 =	sand.u32 $0x1, s3;
	s7 =	sshll.u32 s1, $0xF;
	s3 =	sadd.s32 $0xF42E00, s4  }
.Ltmp0:
0xa: {  	s4 =	sadd.s32 $0xA00, s4;
	s8 =	sshll.u32 s6, $0xE;
	(pc) =	sbr.rel .LBB2_1-.Ltmp0, $4  }
0xb: {  	_ =	strace $0x80000047;
	s6 =	ssub.s32 $0x2, s6;
	s7 =	sor.u32 s8, s7  }
0xc: {  	s30 =	sshrl.u32 s6, $0x1;
	s9 =	sshll.u32 s7, $0x3;
	s31 =	sshrl.u32 s7, $0x3  }
0xd: {  	s8 =	ssub.s32 s6, s30;
	s5 =	sadd.s32 s5, s9;
	s6 =	sadd.s32 s0, s31  }
0xe: {  	s7 =	smax.u32 s8, $0x1;
	s9 =	simm.s32 $0x5;
	s8 =	sadd.s32 $0x400, s5  }
.LBB2_12:
0xf: {  	s20 =	sadd.s32 $0x1, s20  }
0x10: {  	_ =	swait.ge [sflag:s19], $0x2000;
	p0 =	sne.s32 s20, s7  }
.Ltmp1:
0x11: {  	[sflag:s19] =	ssyncset.done $0x0;
	(pc) =	sbr.rel @!p0 .LBB2_13-.Ltmp1, $4  }
0x12: {  	[sflag:s19] =	ssyncadd.s32 $0xFFFFE000  }
0x13: {  	_ =	swait.ge [sflag:s17], $0x2000  }
0x14: {  	[sflag:s17] =	ssyncset.done $0x0  }
0x15: {  	[sflag:s17] =	ssyncadd.s32 $0xFFFFE000  }
.LBB2_1:
0x16: {  	[tilespmem:s2], [sflag:$0x5] =	stream.linear.gather [hbm4b:s6+s2], $0x4000, $0x38;
	[tilespmem:$0xE000] =	vst v63  }
0x17: {  	_ =	swait.ge [sflag:s9], $0x4000  }
0x18: {  	[sflag:s9] =	ssyncset.done $0x0  }
0x19: {  	[sflag:s9] =	ssyncadd.s32 $0xFFFFC000  }
0x1a: {  	[tilespmem:s10], [sflag:$0x5] =	stream.linear.gather [hbm4b:s4+s2], $0x2000, $0x38;
	[tilespmem:$0xE000] =	vst v63  }
0x1b: {  	_ =	swait.ge [sflag:s9], $0x2000  }
0x1c: {  	[sflag:s9] =	ssyncset.done $0x0  }
0x1d: {  	[sflag:s9] =	ssyncadd.s32 $0xFFFFE000  }
0x1e: {  	[tilespmem:s12], [sflag:$0x1] =	stream.indirect.gather [hbm4b:s3+s11], $0x40, s2, s11, $0xb8;
	[tilespmem:$0xE000] =	vst v63  }
0x1f: {  	s21 =	simm.s32 $0x0  }
0x20: {  	[tilespmem:s13], [sflag:$0x2] =	stream.indirect.gather [hbm4b:s3+s11], $0x40, s11, s11, $0xb8;
	[tilespmem:$0xE000] =	vst v63  }
.LBB2_2:
0x21: {  	_ =	swait.ge [sflag:s14], $0x2000  }
0x22: {  	p0 =	seq.s32 s21, $0x0;
	[sflag:s14] =	ssyncset.done $0x0  }
0x23: {  	s0 =	simm.s32 @!p0 $0x3;
	[sflag:s14] =	ssyncadd.s32 $0xFFFFE000  }
0x24: {  	_ =	swait.ge @!p0 [sflag:s0], $0x2000  }
0x25: {  	[sflag:s0] =	ssyncset.done @!p0 $0x0  }
0x26: {  	s26 =	simm.s32 $0x4040;
	[sflag:s0] =	ssyncadd.s32 @!p0 $0xFFFFE000  }
0x27: {  	s23 =	simm.s32 $0xC040;
	v0 =	vld [tilespmem:s26+$0x0]  }
0x28: {  	v1 =	vld [tilespmem:s23+$0x0];
	_ =	sdelay $0x2  }
0x29: {  	v2 =	vld [tilespmem:s23+$0xFFFFFFC0]  }
0x2a: {  	v3 =	vld [tilespmem:s26+$0xFFFFFFC0]  }
0x2b: {  	v0 =	vadd.f32 v1, v0  }
0x2c: {  	s22 =	simm.s32 $0x8040  }
0x2d: {  	[tilespmem:s22+$0x0] =	vst v0  }
0x2e: {  	v0 =	vld [tilespmem:s26+$0x10]  }
0x2f: {  	v1 =	vadd.f32 v2, v3;
	v2 =	vld [tilespmem:s23+$0x10];
	_ =	sdelay $0x1  }
0x30: {  	[tilespmem:s22+$0xFFFFFFC0] =	vst v1  }
0x31: {  	v1 =	vld [tilespmem:s26+$0xFFFFFFD0]  }
0x32: {  	v3 =	vld [tilespmem:s23+$0xFFFFFFD0]  }
0x33: {  	s25 =	simm.s32 $0xC0C0;
	v0 =	vadd.f32 v2, v0  }
0x34: {  	s24 =	simm.s32 $0x40C0;
	v4 =	vld [tilespmem:s25+$0x0]  }
0x35: {  	v2 =	vld [tilespmem:s24+$0x0];
	[tilespmem:s22+$0x10] =	vst v0  }
0x36: {  	v0 =	vld [tilespmem:s26+$0x20]  }
0x37: {  	v1 =	vadd.f32 v3, v1;
	v3 =	vld [tilespmem:s23+$0x20]  }
0x38: {  	v5 =	vld [tilespmem:s25+$0xFFFFFFC0]  }
0x39: {  	v6 =	vld [tilespmem:s24+$0xFFFFFFC0];
	[tilespmem:s22+$0xFFFFFFD0] =	vst v1  }
0x3a: {  	v1 =	vadd.f32 v4, v2;
	v2 =	vld [tilespmem:s26+$0xFFFFFFE0]  }
0x3b: {  	s28 =	simm.s32 $0x80C0;
	v4 =	vld [tilespmem:s23+$0xFFFFFFE0]  }
0x3c: {  	[tilespmem:s28+$0x0] =	vst v1;
	v0 =	vadd.f32 v3, v0  }
0x3d: {  	v7 =	vld [tilespmem:s24+$0x10]  }
0x3e: {  	v3 =	vadd.f32 v5, v6;
	v5 =	vld [tilespmem:s25+$0x10];
	[tilespmem:s22+$0x20] =	vst v0  }
0x3f: {  	v1 =	vld [tilespmem:s26+$0x30]  }
0x40: {  	[tilespmem:s28+$0xFFFFFFC0] =	vst v3;
	v0 =	vadd.f32 v4, v2;
	v2 =	vld [tilespmem:s23+$0x30]  }
0x41: {  	v3 =	vld [tilespmem:s24+$0xFFFFFFD0]  }
0x42: {  	s30 =	simm.s32 $0x2;
	v4 =	vld [tilespmem:s25+$0xFFFFFFD0];
	[tilespmem:s22+$0xFFFFFFE0] =	vst v0  }
0x43: {  	s31 =	simm.s32 $0x4140;
	s29 =	simm.s32 $0xC0C0;
	v5 =	vadd.f32 v5, v7;
	v0 =	vld [tilespmem:s26+$0xFFFFFFF0];
	s26 =	simm.s32 $0x80C0  }
.LBB2_3:
0x44: {  	v6 =	vld [tilespmem:s31+$0x0];
	s25 =	sadd.s32 $0x80, s25;
	s0 =	smov.u32 s24;
	s24 =	smov.u32 s31  }
0x45: {  	v7 =	vld [tilespmem:s25+$0x0];
	[tilespmem:s28+$0x10] =	vst v5;
	v1 =	vadd.f32 v2, v1  }
0x46: {  	v2 =	vld [tilespmem:s0+$0x20]  }
0x47: {  	v3 =	vadd.f32 v4, v3;
	v4 =	vld [tilespmem:s29+$0x20];
	[tilespmem:s22+$0x30] =	vst v1  }
0x48: {  	s30 =	sadd.s32 $0x2, s30;
	v1 =	vld [tilespmem:s25+$0xFFFFFFC0]  }
0x49: {  	p1 =	slt.u32 s30, $0x7E;
	v5 =	vld [tilespmem:s31+$0xFFFFFFC0];
	[tilespmem:s28+$0xFFFFFFD0] =	vst v3  }
0x4a: {  	v3 =	vadd.f32 v7, v6;
	v6 =	vld [tilespmem:s0+$0xFFFFFFE0]  }
0x4b: {  	s28 =	sadd.s32 $0x80, s28;
	v7 =	vld [tilespmem:s29+$0xFFFFFFE0]  }
0x4c: {  	[tilespmem:s28+$0x0] =	vst v3;
	v2 =	vadd.f32 v4, v2;
	v4 =	vld [tilespmem:s23+$0xFFFFFFF0];
	s23 =	smov.u32 s29;
	s29 =	smov.u32 s25  }
0x4d: {  	v8 =	vld [tilespmem:s31+$0x10]  }
0x4e: {  	v3 =	vadd.f32 v1, v5;
	v5 =	vld [tilespmem:s25+$0x10];
	[tilespmem:s26+$0x20] =	vst v2  }
.Ltmp2:
0x4f: {  	v1 =	vld [tilespmem:s0+$0x30];
	(pc) =	sbr.rel @p1 .LBB2_3-.Ltmp2, $4  }
0x50: {  	[tilespmem:s28+$0xFFFFFFC0] =	vst v3;
	v6 =	vadd.f32 v7, v6;
	v2 =	vld [tilespmem:s23+$0x30]  }
0x51: {  	v3 =	vld [tilespmem:s31+$0xFFFFFFD0];
	v7 =	vadd.f32 v4, v0  }
0x52: {  	v4 =	vld [tilespmem:s25+$0xFFFFFFD0];
	[tilespmem:s26+$0xFFFFFFE0] =	vst v6  }
0x53: {  	s31 =	sadd.s32 $0x80, s31;
	v5 =	vadd.f32 v5, v8;
	v0 =	vld [tilespmem:s0+$0xFFFFFFF0];
	[tilespmem:s22+$0xFFFFFFF0] =	vst v7;
	s22 =	smov.u32 s26;
	s26 =	smov.u32 s28  }
0x54: {  	_ =	sdelay $0x2  }
0x55: {  	[tilespmem:s28+$0x10] =	vst v5;
	v3 =	vadd.f32 v4, v3  }
0x56: {  	v59 =	vld [tilespmem:s24+$0x20]  }
0x57: {  	v5 =	vld [tilespmem:s29+$0x20];
	[tilespmem:s28+$0xFFFFFFD0] =	vst v3  }
0x58: {  	v3 =	vld [tilespmem:s24+$0xFFFFFFE0]  }
0x59: {  	v6 =	vld [tilespmem:s29+$0xFFFFFFE0];
	_ =	sdelay $0x2  }
0x5a: {  	v4 =	vadd.f32 v5, v59;
	_ =	sdelay $0x1  }
0x5b: {  	v60 =	vld [tilespmem:s23+$0xFFFFFFF0];
	[tilespmem:s26+$0x20] =	vst v4;
	v3 =	vadd.f32 v6, v3  }
0x5c: {  	v4 =	vld [tilespmem:s24+$0x30]  }
0x5d: {  	v61 =	vld [tilespmem:s29+$0x30];
	[tilespmem:s26+$0xFFFFFFE0] =	vst v3  }
0x5e: {  	v3 =	vld [tilespmem:s24+$0xFFFFFFF0]  }
0x5f: {  	v7 =	vld [tilespmem:s29+$0xFFFFFFF0];
	_ =	sdelay $0x1  }
0x60: {  	v1 =	vadd.f32 v2, v1  }
0x61: {  	p1 =	sne.s32 s21, $0x3F;
	v0 =	vadd.f32 v60, v0  }
.Ltmp3:
0x62: {  	[tilespmem:s22+$0x30] =	vst v1;
	v62 =	vadd.f32 v61, v4;
	(pc) =	sbr.rel @p1 .LBB2_6-.Ltmp3, $4  }
0x63: {  	[tilespmem:s22+$0xFFFFFFF0] =	vst v0;
	v63 =	vadd.f32 v7, v3  }
0x64: {  	s22 =	sshll.u32 s21, $0xB;
	[tilespmem:s26+$0x30] =	vst v62  }
0x65: {  	s0 =	sadd.s32 s22, s5;
	[tilespmem:s26+$0xFFFFFFF0] =	vst v63  }
0x66: {  	[hbm4b:s0+s2] =	stream.linear.scatter [tilespmem:s15], [sflag:$0x3], $0x2000, $0x38;
	[tilespmem:$0xE000] =	vst v63  }
.Ltmp4:
0x67: {  	(pc) =	sbr.rel .LBB2_7-.Ltmp4, $4  }
0x68: {  	_ = 	snop  }
0x69: {  	_ =	swait.ge [sflag:s16], $0x2000  }
0x6a: {  	[sflag:s16] =	ssyncset.done $0x0  }
0x6b: {  	[sflag:s16] =	ssyncadd.s32 $0xFFFFE000  }
.LBB2_6:
0x6c: {  	s0 =	sshll.u32 s21, $0x8  }
0x6d: {  	s0 =	sand.u32 $0x3FFFFF00, s0  }
.Ltmp5:
0x6e: {  	s0 =	sadd.s32 $0x100, s0;
	(pc) =	sbr.rel @p0 .LBB2_8-.Ltmp5, $4  }
0x6f: {  	[tilespmem:s12], [sflag:$0x1] =	stream.indirect.gather [hbm4b:s3+s11], $0x40, s0, s11, $0xb8;
	[tilespmem:$0xE000] =	vst v63  }
0x70: {  	_ =	swait.ge [sflag:s16], $0x2000  }
0x71: {  	[sflag:s16] =	ssyncset.done $0x0  }
0x72: {  	[sflag:s16] =	ssyncadd.s32 $0xFFFFE000  }
.LBB2_7:
0x73: {  	_ =	swait.ge [sflag:s17], $0x2000  }
0x74: {  	[sflag:s17] =	ssyncset.done $0x0  }
0x75: {  	[sflag:s17] =	ssyncadd.s32 $0xFFFFE000  }
.LBB2_8:
0x76: {  	s29 =	simm.s32 $0x6040  }
0x77: {  	s24 =	simm.s32 $0xC040;
	v0 =	vld [tilespmem:s29+$0x0]  }
0x78: {  	v1 =	vld [tilespmem:s24+$0x0];
	_ =	sdelay $0x2  }
0x79: {  	v2 =	vld [tilespmem:s24+$0xFFFFFFC0]  }
0x7a: {  	v3 =	vld [tilespmem:s29+$0xFFFFFFC0]  }
0x7b: {  	v0 =	vadd.f32 v1, v0  }
0x7c: {  	s23 =	simm.s32 $0xA040  }
0x7d: {  	[tilespmem:s23+$0x0] =	vst v0  }
0x7e: {  	v0 =	vld [tilespmem:s29+$0x10]  }
0x7f: {  	v1 =	vadd.f32 v2, v3;
	v2 =	vld [tilespmem:s24+$0x10];
	_ =	sdelay $0x1  }
0x80: {  	[tilespmem:s23+$0xFFFFFFC0] =	vst v1  }
0x81: {  	v1 =	vld [tilespmem:s29+$0xFFFFFFD0]  }
0x82: {  	v3 =	vld [tilespmem:s24+$0xFFFFFFD0]  }
0x83: {  	s26 =	simm.s32 $0xC0C0;
	v0 =	vadd.f32 v2, v0  }
0x84: {  	s25 =	simm.s32 $0x60C0;
	v4 =	vld [tilespmem:s26+$0x0]  }
0x85: {  	v2 =	vld [tilespmem:s25+$0x0];
	[tilespmem:s23+$0x10] =	vst v0  }
0x86: {  	v0 =	vld [tilespmem:s29+$0x20]  }
0x87: {  	v1 =	vadd.f32 v3, v1;
	v3 =	vld [tilespmem:s24+$0x20]  }
0x88: {  	v5 =	vld [tilespmem:s26+$0xFFFFFFC0]  }
0x89: {  	v6 =	vld [tilespmem:s25+$0xFFFFFFC0];
	[tilespmem:s23+$0xFFFFFFD0] =	vst v1  }
0x8a: {  	v1 =	vadd.f32 v4, v2;
	v2 =	vld [tilespmem:s29+$0xFFFFFFE0]  }
0x8b: {  	s28 =	simm.s32 $0xA0C0;
	v4 =	vld [tilespmem:s24+$0xFFFFFFE0]  }
0x8c: {  	[tilespmem:s28+$0x0] =	vst v1;
	v0 =	vadd.f32 v3, v0  }
0x8d: {  	v7 =	vld [tilespmem:s25+$0x10]  }
0x8e: {  	v3 =	vadd.f32 v5, v6;
	v5 =	vld [tilespmem:s26+$0x10];
	[tilespmem:s23+$0x20] =	vst v0  }
0x8f: {  	v1 =	vld [tilespmem:s29+$0x30]  }
0x90: {  	[tilespmem:s28+$0xFFFFFFC0] =	vst v3;
	v0 =	vadd.f32 v4, v2;
	v2 =	vld [tilespmem:s24+$0x30]  }
0x91: {  	v3 =	vld [tilespmem:s25+$0xFFFFFFD0]  }
0x92: {  	s31 =	simm.s32 $0x2;
	v4 =	vld [tilespmem:s26+$0xFFFFFFD0];
	[tilespmem:s23+$0xFFFFFFE0] =	vst v0  }
0x93: {  	s0 =	simm.s32 $0x6140;
	s30 =	simm.s32 $0xC0C0;
	v5 =	vadd.f32 v5, v7;
	v0 =	vld [tilespmem:s29+$0xFFFFFFF0];
	s29 =	simm.s32 $0xA0C0  }
.LBB2_9:
0x94: {  	v6 =	vld [tilespmem:s0+$0x0];
	s26 =	sadd.s32 $0x80, s26;
	s1 =	smov.u32 s25;
	s25 =	smov.u32 s0  }
0x95: {  	v7 =	vld [tilespmem:s26+$0x0];
	[tilespmem:s28+$0x10] =	vst v5;
	v1 =	vadd.f32 v2, v1  }
0x96: {  	v2 =	vld [tilespmem:s1+$0x20]  }
0x97: {  	v3 =	vadd.f32 v4, v3;
	v4 =	vld [tilespmem:s30+$0x20];
	[tilespmem:s23+$0x30] =	vst v1  }
0x98: {  	s31 =	sadd.s32 $0x2, s31;
	v1 =	vld [tilespmem:s26+$0xFFFFFFC0]  }
0x99: {  	p0 =	slt.u32 s31, $0x7E;
	v5 =	vld [tilespmem:s0+$0xFFFFFFC0];
	[tilespmem:s28+$0xFFFFFFD0] =	vst v3  }
0x9a: {  	v3 =	vadd.f32 v7, v6;
	v6 =	vld [tilespmem:s1+$0xFFFFFFE0]  }
0x9b: {  	s28 =	sadd.s32 $0x80, s28;
	v7 =	vld [tilespmem:s30+$0xFFFFFFE0]  }
0x9c: {  	[tilespmem:s28+$0x0] =	vst v3;
	v2 =	vadd.f32 v4, v2;
	v4 =	vld [tilespmem:s24+$0xFFFFFFF0];
	s24 =	smov.u32 s30;
	s30 =	smov.u32 s26  }
0x9d: {  	v8 =	vld [tilespmem:s0+$0x10]  }
0x9e: {  	v3 =	vadd.f32 v1, v5;
	v5 =	vld [tilespmem:s26+$0x10];
	[tilespmem:s29+$0x20] =	vst v2  }
.Ltmp6:
0x9f: {  	v1 =	vld [tilespmem:s1+$0x30];
	(pc) =	sbr.rel @p0 .LBB2_9-.Ltmp6, $4  }
0xa0: {  	[tilespmem:s28+$0xFFFFFFC0] =	vst v3;
	v6 =	vadd.f32 v7, v6;
	v2 =	vld [tilespmem:s24+$0x30]  }
0xa1: {  	v3 =	vld [tilespmem:s0+$0xFFFFFFD0];
	v7 =	vadd.f32 v4, v0  }
0xa2: {  	v4 =	vld [tilespmem:s26+$0xFFFFFFD0];
	[tilespmem:s29+$0xFFFFFFE0] =	vst v6  }
0xa3: {  	s0 =	sadd.s32 $0x80, s0;
	v5 =	vadd.f32 v5, v8;
	v0 =	vld [tilespmem:s1+$0xFFFFFFF0];
	[tilespmem:s23+$0xFFFFFFF0] =	vst v7;
	s23 =	smov.u32 s29;
	s29 =	smov.u32 s28  }
0xa4: {  	_ =	sdelay $0x2  }
0xa5: {  	[tilespmem:s28+$0x10] =	vst v5;
	v3 =	vadd.f32 v4, v3  }
0xa6: {  	v59 =	vld [tilespmem:s25+$0x20]  }
0xa7: {  	v5 =	vld [tilespmem:s30+$0x20];
	[tilespmem:s28+$0xFFFFFFD0] =	vst v3  }
0xa8: {  	v3 =	vld [tilespmem:s25+$0xFFFFFFE0]  }
0xa9: {  	v6 =	vld [tilespmem:s30+$0xFFFFFFE0];
	_ =	sdelay $0x2  }
0xaa: {  	v4 =	vadd.f32 v5, v59;
	_ =	sdelay $0x1  }
0xab: {  	v60 =	vld [tilespmem:s24+$0xFFFFFFF0];
	[tilespmem:s29+$0x20] =	vst v4;
	v3 =	vadd.f32 v6, v3  }
0xac: {  	v4 =	vld [tilespmem:s25+$0x30]  }
0xad: {  	v61 =	vld [tilespmem:s30+$0x30];
	[tilespmem:s29+$0xFFFFFFE0] =	vst v3  }
0xae: {  	v3 =	vld [tilespmem:s25+$0xFFFFFFF0]  }
0xaf: {  	v7 =	vld [tilespmem:s30+$0xFFFFFFF0];
	_ =	sdelay $0x1  }
0xb0: {  	v1 =	vadd.f32 v2, v1  }
0xb1: {  	p0 =	seq.s32 s21, $0x3F;
	v0 =	vadd.f32 v60, v0  }
.Ltmp7:
0xb2: {  	[tilespmem:s23+$0x30] =	vst v1;
	v62 =	vadd.f32 v61, v4;
	(pc) =	sbr.rel @p0 .LBB2_12-.Ltmp7, $4  }
0xb3: {  	[tilespmem:s23+$0xFFFFFFF0] =	vst v0;
	v63 =	vadd.f32 v7, v3  }
0xb4: {  	[tilespmem:s29+$0x30] =	vst v62  }
0xb5: {  	s0 =	sadd.s32 s8, s22;
	[tilespmem:s29+$0xFFFFFFF0] =	vst v63  }
0xb6: {  	[hbm4b:s0+s2] =	stream.linear.scatter [tilespmem:s18], [sflag:$0x4], $0x2000, $0x38;
	[tilespmem:$0xE000] =	vst v63  }
.Ltmp8:
0xb7: {  	(pc) =	sbr.rel .LBB2_2-.Ltmp8, $4  }
0xb8: {  	s0 =	sshll.u32 s21, $0x8  }
0xb9: {  	s0 =	sand.u32 $0x3FFFFF00, s0  }
0xba: {  	s21 =	sadd.s32 $0x1, s21;
	s0 =	sadd.s32 $0x180, s0  }
0xbb: {  	[tilespmem:s13], [sflag:$0x2] =	stream.indirect.gather [hbm4b:s3+s11], $0x40, s0, s11, $0xb8;
	[tilespmem:$0xE000] =	vst v63  }
.LBB2_13:
0xbc: {  	_ =	sfence.sel $0x180000  }
0xbd: {  	[bflag:$0x0] =	sbarrier.arrive $0xFFFF  }
0xbe: {  	_ =	strace $0x90000047  }
0xbf: {  	s0 =	stileid.u32;
	[bflag:$0x2] =	sbarrier.arrive $0xFFFF  }
0xc0: {  	p0 =	sne.s32 s0, $0x0;
	s0 =	rddreg [dreg:$0x3]  }
0xc1: {  	s0 =	sadd.s32 @!p0 $0x100000, s0  }
0xc2: {  	[sflag:s0] =	ssyncadd.tile.s32 @!p0 $0x1;
	_ =	shalt  }
.Lfunc_end2:
_tile_overlayer_lowered:
.L_overlay_start_2:
0xc3: {  	(tag) =	ssettag $0x2  }
0xc4: {  	s0 =	rddreg [dreg:$0x0];
	s2 =	stileid.u32  }
0xc5: {  	s1 =	rddreg [dreg:$0x1];
	p0 =	sne.s32 s2, $0x0  }
0xc6: {  	s3 =	rddreg [dreg:$0x2];
	[bflag:$0x3] =	sbarrier.arrive $0xFFFF;
	s2 =	simm.s32 @!p0 $0x1C05  }
0xc7: {  	[timem:s3], [sflag:s2] =	dma.local @!p0 [hbm:s0], s1  }
0xc8: {  	s0 =	simm.s32 @!p0 $0x5  }
0xc9: {  	_ =	swait.ge @!p0 [sflag:s0], s1  }
0xca: {  	s1 =	ssub.s32 @!p0 $0x0, s1;
	[sflag:s0] =	ssyncset.done @!p0 $0x0  }
0xcb: {  	[sflag:s0] =	ssyncadd.s32 @!p0 s1  }
0xcc: {  	[bflag:$0x3] =	sbarrier.arrive $0xFFFF  }
0xcd: {  	_ =	shalt  }

// kernel: sparse-core-data-format-call.cloned.1.call-start
scs
called_computation_lowered:
.L_overlay_start_0:
0x0: {  	s2 =	sld [smem:$0x3FD9]  }
0x1: {  	s3 =	sld [smem:$0x3FFE];
	_ =	sdelay $0x1  }
0x2: {  	s1 =	srdreg.scid  }
0x3: {  	s0 =	sand.u32 $0x1, s1  }
0x4: {  	s18 =	sshll.u32 s0, $0xA;
	s2 =	sadd.s32 s3, s2  }
0x5: {  	s2 =	sadd.s32 s2, s18  }
0x6: {  	[smem:$0x3FC5] =	sst s2  }
0x7: {  	_ = 	snop  }
0x8: {  	s2 =	sld [smem:$0x3FD0];
	(tm) =	ssettm $0x1  }
0x9: {  	s19 =	sld [smem:$0x3FFB];
	_ =	sdelay $0x3  }
0xa: {  	_ =	strace s19  }
0xb: {  	s3 =	sld [smem:$0x3FFC];
	_ =	sdelay $0x3  }
0xc: {  	_ =	strace s3  }
0xd: {  	s3 =	sld [smem:$0x3FFD];
	_ =	sdelay $0x3  }
0xe: {  	_ =	strace s3  }
0xf: {  	_ =	strace $0x8FFFFFFF  }
0x10: {  	s20 =	sld [smem:$0x3FDB];
	_ =	sdelay $0x1  }
0x11: {  	s4 =	simm.s32 $_scs_section_size  }
0x12: {  	s5 =	simm.s32 $_size__tile_overlayer_lowered;
	s6 =	simm.s32 $_tile_overlayer_lowered  }
0x13: {  	s23 =	simm.s32 $0x1BFF;
	s22 =	sshll.u32 s6, $0x1;
	s3 =	sadd.s32 s4, s20  }
0x14: {  	s7 =	simm.s32 $0x0;
	s21 =	sshll.u32 s5, $0x1;
	s5 =	sadd.s32 s22, s3  }
0x15: {  	[timem:s7], [sflag:s23] =	dma.local [hbm:s5], s21  }
0x16: {  	_ =	swait.ge [sflag:s23], s21  }
0x17: {  	s4 =	ssub.s32 $0x0, s21;
	[sflag:s23] =	ssyncset.done $0x0  }
0x18: {  	[sflag:s23] =	ssyncadd.s32 s4;
	_ =	sdelay $0x1  }
0x19: {  	s24 =	simm.s32 $0x1B8B  }
0x1a: {  	_ =	swait.ge [sflag:s24], $0x1  }
0x1b: {  	[sflag:s24] =	ssyncset.done $0x0  }
0x1c: {  	s26 =	simm.s32 $0x1B8E;
	s25 =	sld [smem:$0x3FFE];
	[sflag:s24] =	ssyncadd.s32 $0xFFFFFFFF  }
0x1d: {  	s27 =	simm.s32 $execute0_lowered;
	[smem:$0x3FD2] =	sst s26  }
0x1e: {  	s5 =	sshll.u32 s27, $0x1;
	_ =	strace $0x80000049;
	[dreg:$0x1] =	wrdreg $0xFFFFFFFF  }
0x1f: {  	s28 =	simm.s32 $_size_execute0_lowered;
	s3 =	sadd.s32 s3, s5;
	[dreg:$0x0] =	wrdreg $0x0  }
0x20: {  	s5 =	sshll.u32 s28, $0x1;
	[dreg:$0x2] =	wrdreg s3  }
0x21: {  	[dreg:$0x3] =	wrdreg s5  }
0x22: {  	[dreg:$0x4] =	wrdreg $0xC0  }
0x23: {  	_ =	task [dreg:s7], $0x5FFFF  }
0x24: {  	[dreg:$0x1] =	wrdreg $0xFFFFFFFF  }
0x25: {  	[dreg:$0x0] =	wrdreg $0x60  }
0x26: {  	[dreg:$0x2] =	wrdreg s25  }
0x27: {  	[dreg:$0x3] =	wrdreg s2  }
0x28: {  	[dreg:$0x4] =	wrdreg $0x9  }
0x29: {  	_ =	task.clear_ibuf [dreg:s7], $0x5FFFF;
	_ =	strace $0x90000049  }
0x2a: {  	s29 =	simm.s32 $0x9;
	_ =	strace $0x8000004B  }
0x2b: {  	_ =	swait.ge [sflag:s29], $0x1  }
0x2c: {  	[sflag:s29] =	ssyncadd.s32 $0xFFFFFFFF  }
0x2d: {  	_ =	strace $0x9000004B  }
0x2e: {  	_ =	sfence  }
0x2f: {  	s30 =	sld [smem:$0x0];
	_ =	sdelay $0x2  }
0x30: {  	s31 =	sshll.u32 s1, $0xD;
	s1 =	sshrl.u32 s1, $0x2  }
0x31: {  	s3 =	sand.u32 $0x4000, s31;
	s1 =	sadd.s32 s1, s30  }
0x32: {  	s0 =	sor.u32 s3, s0;
	s1 =	sshll.u32 s1, $0x11  }
0x33: {  	s0 =	sor.u32 s1, s0  }
0x34: {  	s0 =	sadd.s32 $0x8F2B, s0  }
0x35: {  	[sflag:s0] =	ssyncadd.remote.s32 $0x1  }
0x36: {  	_ =	sfence.sel $0xFFFF  }
0x37: {  	[dreg:$0x0] =	wrdreg $0xFFFFFFFF;
	(pc) =	sbr.abs _section_cstart, $3  }
0x38: {  	[dreg:$0x1] =	wrdreg $0xFFFFFFFF  }
0x39: {  	_ =	task.clear_ibuf [dreg:s7], $0x2FFFF;
	_ =	strace $0x9FFFFFFF  }
0x3a: {  	(tm) =	ssettm $0x7FFFFFFF  }
0x3b: {  	_ =	shalt  }
tec
execute0_lowered:
.L_overlay_start_1:
0x0: {  	(tag) =	ssettag $0x1  }
0x1: {  	s0 =	srdreg.scid  }
0x2: {  	s1 =	sshll.u32 s0, $0x4  }
0x3: {  	s4 =	rddreg [dreg:$0x0];
	s0 =	stileid.u32;
	s1 =	sand.u32 $0x10, s1  }
0x4: {  	s2 =	rddreg [dreg:$0x1];
	s7 =	simm.s32 $0x1;
	s1 =	sor.u32 s0, s1  }
0x5: {  	s8 =	simm.s32 $0x2;
	s11 =	simm.s32 $0x0;
	s3 =	sshll.u32 s1, $0x7  }
0x6: {  	s10 =	simm.s32 $0x0;
	s4 =	sadd.s32 $0xA00, s4;
	s6 =	ssub.s32 $0x80000, s3  }
.Ltmp0:
0x7: {  	s1 =	rddreg [dreg:$0x2];
	s5 =	sand.u32 $0xF80, s6;
	(pc) =	sbr.rel .LBB1_1-.Ltmp0, $4  }
0x8: {  	_ =	strace $0x8000004A;
	s9 =	smov.u32 s3;
	p0 =	sne.s32 s5, $0x0  }
0x9: {  	s6 =	sshrl.u32 s6, $0xC;
	s5 =	simm.s32 $0x1;
	s7 =	simm.s32 @!p0 $0x0  }
0xa: {  	[sflag:s5] =	ssyncpa.u1 $0x0;
	p0 =	por $0x0, $0x0;
	s6 =	sadd.s32 s7, s6  }
0xb: {  	[sflag:s8] =	ssyncpa.u1 $0x0;
	s8 =	simm.s32 $0x400000;
	s7 =	sadd.s32 $0x1, s6  }
.LBB1_4:
0xc: {  	s14 =	sshll.u32 s11, $0x3  }
0xd: {  	s15 =	sand.u32 $0x78, s11;
	s14 =	sand.u32 $0x7FC00, s14  }
0xe: {  	[tilespmem:s13+$0x810 ss:$0x81] =	vst.msk $0xffff, v2;
	s29 =	sand.u32 $0x3F0000, s11;
	s30 =	sand.u32 $0x7, s11;
	s14 =	sor.u32 s15, s14  }
0xf: {  	[tilespmem:s13+$0x1020 ss:$0x81] =	vst.msk $0xffff, v0;
	s11 =	sshll.u32 s30, $0x12;
	s15 =	sadd.s32 s2, s29;
	s14 =	sshrl.u32 s14, $0x3  }
0x10: {  	[tilespmem:s13+$0x0 ss:$0x81] =	vst.msk $0xffff, v1;
	s11 =	sor.u32 $0x400, s11;
	s31 =	sadd.s32 s14, s15  }
0x11: {  	[hbm4b:s31+s11] =	stream.strided.scatter [tilespmem:s12], [sflag:$0x2], $0x2000, s8, s11, $0x20;
	[tilespmem:$0x8080] =	vst v63  }
.LBB1_5:
0x12: {  	s13 =	sadd.s32 $0x1000, s9  }
0x13: {  	p2 =	sgt.s32 s13, $0x7FFFF  }
0x14: {  	s13 =	smov.u32 @p2 s3;
	p2 =	sne.s32 s10, s7  }
.Ltmp1:
0x15: {  	p1 =	slt.u32 s10, $0x2;
	(pc) =	sbr.rel @!p2 .LBB1_6-.Ltmp1, $4  }
0x16: {  	s12 =	simm.s32 @!p1 $0x2  }
0x17: {  	s14 =	sadd.s32 $0x1, s10;
	_ =	swait.ge @!p1 [sflag:s12], $0x2000  }
0x18: {  	s11 =	smov.u32 s9;
	p0 =	por !p0, !p0;
	[sflag:s12] =	ssyncset.done @!p1 $0x0  }
0x19: {  	s10 =	smov.u32 s14;
	s9 =	smov.u32 s13;
	[sflag:s12] =	ssyncadd.s32 @!p1 $0xFFFFE000  }
.LBB1_1:
0x1a: {  	p1 =	sge.u32 s10, s6  }
0x1b: {  	s31 =	sadd.s32 $0xFFFFFFFF, s10;
	s12 =	sxor.u32 @!p1 $0xFFFFFFFF, s10;
	s13 =	sshll.u32 @!p1 s9, $0x4  }
0x1c: {  	s14 =	simm.s32 @!p1 $0x40;
	s12 =	sshll.u32 @!p1 s12, $0xD;
	s13 =	sand.u32 @!p1 $0x7FFFF0, s13  }
0x1d: {  	s15 =	simm.s32 @!p1 $0x80;
	s12 =	sand.u32 @!p1 $0x2000, s12;
	s13 =	sadd.s32 @!p1 s4, s13  }
0x1e: {  	[tilespmem:s12], [sflag:$0x1] =	stream.strided.gather @!p1 [hbm4b:s13+s14], $0x2000, s15, s14, $0x38;
	[tilespmem:$0x8080] =	vst v63  }
0x1f: {  	p1 =	sge.u32 s31, s6  }
.Ltmp2:
0x20: {  	_ = 	snop;
	(pc) =	sbr.rel @p1 .LBB1_5-.Ltmp2, $1  }
0x21: {  	_ =	sdelay $0x3  }
0x22: {  	s12 =	simm.s32 $0x1  }
0x23: {  	_ =	swait.ge [sflag:s5], $0x2000;
	s12 =	simm.s32 @!p0 $0x0  }
0x24: {  	[sflag:s5] =	ssyncset.done $0x0;
	s13 =	sshll.u32 s12, $0xD  }
0x25: {  	[sflag:s5] =	ssyncadd.s32 $0xFFFFE000;
	s16 =	sor.u32 $0x20, s13  }
0x26: {  	s12 =	smul.u32 $0x8100, s12;
	v3 =	vld [tilespmem:s16+$0x10]  }
0x27: {  	s30 =	sand.u32 $0x1, s10;
	v2 =	vld [tilespmem:s16+$0xFFFFFFF0]  }
0x28: {  	s13 =	smul.u32 $0x8100, s30;
	s12 =	sshrl.u32 s12, $0x2;
	v0 =	vld [tilespmem:s16+$0x0]  }
0x29: {  	v1 =	vld [tilespmem:s16+$0xFFFFFFE0];
	s14 =	sor.u32 $0x4000, s12  }
0x2a: {  	s31 =	sshrl.u32 s13, $0x2;
	s13 =	sadd.s32 $0x0, s14  }
0x2b: {  	s15 =	simm.s32 $0x4;
	s16 =	sadd.s32 $0x40, s16;
	s12 =	sor.u32 $0x4000, s31;
	[tilespmem:s13+$0x1830 ss:$0x81] =	vst.msk $0xffff, v3  }
.LBB1_3:
0x2c: {  	v3 =	vld [tilespmem:s16+$0x10];
	p1 =	sne.s32 s15, $0x1FC;
	[tilespmem:s13+$0x810 ss:$0x81] =	vst.msk $0xffff, v2;
	s17 =	smov.u32 s15;
	s15 =	sadd.s32 $0x4, s15  }
.Ltmp3:
0x2d: {  	v2 =	vld [tilespmem:s16+$0xFFFFFFF0];
	[tilespmem:s13+$0x1020 ss:$0x81] =	vst.msk $0xffff, v0;
	(pc) =	sbr.rel @p1 .LBB1_3-.Ltmp3, $4  }
0x2e: {  	v0 =	vld [tilespmem:s16+$0x0];
	[tilespmem:s13+$0x0 ss:$0x81] =	vst.msk $0xffff, v1  }
0x2f: {  	s13 =	sshra.s32 s17, $0x2;
	v1 =	vld [tilespmem:s16+$0xFFFFFFE0]  }
0x30: {  	s13 =	sadd.s32 s13, s14  }
0x31: {  	s16 =	sadd.s32 $0x40, s16;
	[tilespmem:s13+$0x1830 ss:$0x81] =	vst.msk $0xffff, v3  }
.Ltmp4:
0x32: {  	_ = 	snop;
	(pc) =	sbr.rel .LBB1_4-.Ltmp4, $1  }
0x33: {  	_ =	sdelay $0x3  }
.LBB1_6:
0x34: {  	_ =	sfence.sel $0x180000  }
0x35: {  	s2 =	simm.s32 $0x1;
	[bflag:$0x0] =	sbarrier.arrive $0xFFFF  }
0x36: {  	s31 =	simm.s32 $0x2;
	[sflag:s2] =	ssyncpa.u1 $0x1  }
0x37: {  	[sflag:s31] =	ssyncpa.u1 $0x1  }
0x38: {  	p0 =	sne.s32 s0, $0x0;
	_ =	strace $0x9000004A  }
0x39: {  	s0 =	sadd.s32 @!p0 $0x100000, s1;
	[bflag:$0x2] =	sbarrier.arrive $0xFFFF  }
0x3a: {  	[sflag:s0] =	ssyncadd.tile.s32 @!p0 $0x1;
	_ =	shalt  }
.Lfunc_end1:
_tile_overlayer_lowered:
.L_overlay_start_2:
0x3b: {  	(tag) =	ssettag $0x2  }
0x3c: {  	s0 =	rddreg [dreg:$0x0];
	s2 =	stileid.u32  }
0x3d: {  	s1 =	rddreg [dreg:$0x1];
	p0 =	sne.s32 s2, $0x0  }
0x3e: {  	s3 =	rddreg [dreg:$0x2];
	[bflag:$0x3] =	sbarrier.arrive $0xFFFF;
	s2 =	simm.s32 @!p0 $0x1C01  }
0x3f: {  	[timem:s3], [sflag:s2] =	dma.local @!p0 [hbm:s0], s1  }
0x40: {  	s0 =	simm.s32 @!p0 $0x1  }
0x41: {  	_ =	swait.ge @!p0 [sflag:s0], s1  }
0x42: {  	s1 =	ssub.s32 @!p0 $0x0, s1;
	[sflag:s0] =	ssyncset.done @!p0 $0x0  }
0x43: {  	[sflag:s0] =	ssyncadd.s32 @!p0 s1  }
0x44: {  	[bflag:$0x3] =	sbarrier.arrive $0xFFFF  }
0x45: {  	_ =	shalt  }

</sc_bundles>
